<compile_context>
chip_gen: v7x
topology: tpu7x:2x2x1
jax: 0.10.2.dev20260603
libtpu: 0.0.44.dev20260713+nightly
codegen_flags: <defaults>
</compile_context>

<pallas_src>
import jax
import jax.numpy as jnp
from jax import lax
from jax.experimental import pallas as pl
from jax.experimental.pallas import tpu as pltpu
from jax.experimental.pallas import tpu_sc as plsc

NC, NS, LANES = 2, 16, 16
NW = NC * NS

PARTS = ((0, 56), (56, 48), (104, 48), (152, 48))
NBUF = 8


def _sc_pooled_sums(x, tbl, D):
    B, L = x.shape
    rows_w = B // NW
    nchunk = D // LANES
    ppr = len(PARTS)
    rows_it = NBUF // ppr
    assert NBUF % ppr == 0 and rows_w % rows_it == 0
    x = x.reshape(-1)

    mesh = plsc.VectorSubcoreMesh(core_axis_name="c", subcore_axis_name="s")

    def body(x_hbm, tbl_hbm, out_hbm, idx_v, out_v, *bufsem):
        bufs, sems = bufsem[:NBUF], bufsem[NBUF:]
        wid = lax.axis_index("s") * NC + lax.axis_index("c")
        base = wid * rows_w
        pltpu.sync_copy(x_hbm.at[pl.ds(base * L, rows_w * L)], idx_v)

        def start_chunk(b, part, buf, sem):
            off, sz = PARTS[part]
            pltpu.make_async_copy(
                tbl_hbm.at[idx_v.at[pl.ds(b * L + off, sz)]], buf, sem
            ).start()

        def wait_chunk(b, part, buf, sem):
            off, sz = PARTS[part]
            pltpu.make_async_copy(
                tbl_hbm.at[idx_v.at[pl.ds(b * L + off, sz)]], buf, sem
            ).wait()

        def reduce_chunk(buf, nrows, acc):
            def add_row(r, a):
                return tuple(a[j] + buf[r, pl.ds(LANES * j, LANES)]
                             for j in range(nchunk))

            def rbody(r, a):
                return add_row(2 * r + 1, add_row(2 * r, a))

            return lax.fori_loop(0, nrows // 2, rbody, acc)

        zeros = tuple(jnp.zeros((LANES,), jnp.float32) for _ in range(nchunk))

        for u in range(NBUF):
            start_chunk(u // ppr, u % ppr, bufs[u], sems[u])

        def step(i, carry):
            for u in range(NBUF):
                b = rows_it * i + u // ppr
                part = u % ppr
                wait_chunk(b, part, bufs[u], sems[u])

                @pl.when(b + rows_it < rows_w)
                def _():
                    start_chunk(b + rows_it, part, bufs[u], sems[u])

                acc = reduce_chunk(bufs[u], PARTS[part][1],
                                   zeros if part == 0 else acc)
                if part == ppr - 1:
                    for j in range(nchunk):
                        out_v[b, pl.ds(LANES * j, LANES)] = acc[j]
            return carry

        lax.fori_loop(0, rows_w // rows_it, step, 0)
        pltpu.sync_copy(out_v, out_hbm.at[pl.ds(base, rows_w)])

    scratch = [
        pltpu.VMEM((rows_w * L,), jnp.int32),
        pltpu.VMEM((rows_w, D), jnp.float32),
    ]
    scratch += [pltpu.VMEM((PARTS[u % ppr][1], D), jnp.float32)
                for u in range(NBUF)]
    scratch += [pltpu.SemaphoreType.DMA for _ in range(NBUF)]
    return pl.kernel(
        body,
        out_type=jax.ShapeDtypeStruct((B, D), jnp.float32),
        mesh=mesh,
        scratch_types=scratch,
        compiler_params=pltpu.CompilerParams(use_tc_tiling_on_sc=False),
    )(x, tbl)


def _tc_mlp(sums, len_f, W1, b1, W2, b2):
    B, D = sums.shape
    H = W1.shape[1]
    C = W2.shape[1]
    BLK = 512

    def body(s_ref, l_ref, w1_ref, b1_ref, w2_ref, b2_ref, o_ref):
        rep = s_ref[...] / l_ref[...]
        h = jnp.dot(rep, w1_ref[...], preferred_element_type=jnp.float32)
        h = jnp.maximum(h + b1_ref[...], 0.0)
        o_ref[...] = (jnp.dot(h, w2_ref[...], preferred_element_type=jnp.float32)
                      + b2_ref[...])

    return pl.pallas_call(
        body,
        grid=(B // BLK,),
        in_specs=[
            pl.BlockSpec((BLK, D), lambda i: (i, 0)),
            pl.BlockSpec((BLK, 1), lambda i: (i, 0)),
            pl.BlockSpec((D, H), lambda i: (0, 0)),
            pl.BlockSpec((1, H), lambda i: (0, 0)),
            pl.BlockSpec((H, C), lambda i: (0, 0)),
            pl.BlockSpec((1, C), lambda i: (0, 0)),
        ],
        out_specs=pl.BlockSpec((BLK, C), lambda i: (i, 0)),
        out_shape=jax.ShapeDtypeStruct((B, C), jnp.float32),
    )(sums, len_f, W1, b1, W2, b2)


@jax.jit
def kernel(x, lengths, table, W1, b1, W2, b2):
    D = table.shape[1]
    sums = _sc_pooled_sums(x, table, D)
    len_f = lengths.astype(jnp.float32).reshape(-1, 1)
    return _tc_mlp(sums, len_f, W1, b1.reshape(1, -1), W2, b2.reshape(1, -1))

# --- scband reference (transcript-rebuilt; emitter-appended) ---
"""Pipeline reference for scband-baseline-dnn-30021821399559 (READ-ONLY COPY).

The authoritative reference and input builder live on the scoring server;
editing this copy changes nothing except your own understanding.
"""

import jax, jax.numpy as jnp
import numpy as np

B, L, V, D, H, C = 4096, 200, 100000, 128, 50, 20


def setup_inputs(seed: int = 0) -> dict:
    key = jax.random.key(seed)
    ks = jax.random.split(key, 7)
    x = jax.random.randint(ks[0], (B, L), 0, V, dtype=jnp.int32)
    lengths = jax.random.randint(ks[1], (B,), 1, L + 1, dtype=jnp.int32)
    table = jax.random.normal(ks[2], (V, D), dtype=jnp.float32) * 0.02
    W1 = jax.random.normal(ks[3], (D, H), dtype=jnp.float32) * (1.0 / np.sqrt(D))
    b1 = jnp.zeros((H,), dtype=jnp.float32)
    W2 = jax.random.normal(ks[4], (H, C), dtype=jnp.float32) * (1.0 / np.sqrt(H))
    b2 = jnp.zeros((C,), dtype=jnp.float32)
    return {"x": x, "lengths": lengths, "table": table, "W1": W1, "b1": b1, "W2": W2, "b2": b2}


def reference(x, lengths, table, W1, b1, W2, b2):
    # embedding lookup: [B, L, D]
    embeddings = jnp.take(table, x, axis=0)
    # sum over sequence then divide each row by its length (faithful to the torch loop)
    representations = jnp.sum(embeddings, axis=1)
    representations = representations / lengths[:, None].astype(jnp.float32)
    hidden = jax.nn.relu(representations @ W1 + b1)
    logits = hidden @ W2 + b2
    return logits

if __name__ == "__main__":
    import jax
    _d = setup_inputs()
    print(jax.jit(kernel)(*tuple(_d.values())))

</pallas_src>

<mosaic_0001>
#map = affine_map<(d0, d1) -> (0)>
#map1 = affine_map<(d0, d1) -> (0, 0)>
module attributes {stable_mosaic.version = 14 : i64} {
  func.func @body(%arg0: i32, %arg1: i32, %arg2: memref<819200xi32, #tpu.memory_space<hbm>>, %arg3: memref<100000x128xf32, #tpu.memory_space<hbm>>, %arg4: memref<4096x128xf32, #tpu.memory_space<hbm>>, %arg5: memref<25600xi32, #tpu.memory_space<vmem>>, %arg6: memref<128x128xf32, #tpu.memory_space<vmem>>, %arg7: memref<56x128xf32, #tpu.memory_space<vmem>>, %arg8: memref<48x128xf32, #tpu.memory_space<vmem>>, %arg9: memref<48x128xf32, #tpu.memory_space<vmem>>, %arg10: memref<48x128xf32, #tpu.memory_space<vmem>>, %arg11: memref<56x128xf32, #tpu.memory_space<vmem>>, %arg12: memref<48x128xf32, #tpu.memory_space<vmem>>, %arg13: memref<48x128xf32, #tpu.memory_space<vmem>>, %arg14: memref<48x128xf32, #tpu.memory_space<vmem>>, %arg15: memref<!tpu.dma_semaphore, #tpu.memory_space<semaphore_mem>>, %arg16: memref<!tpu.dma_semaphore, #tpu.memory_space<semaphore_mem>>, %arg17: memref<!tpu.dma_semaphore, #tpu.memory_space<semaphore_mem>>, %arg18: memref<!tpu.dma_semaphore, #tpu.memory_space<semaphore_mem>>, %arg19: memref<!tpu.dma_semaphore, #tpu.memory_space<semaphore_mem>>, %arg20: memref<!tpu.dma_semaphore, #tpu.memory_space<semaphore_mem>>, %arg21: memref<!tpu.dma_semaphore, #tpu.memory_space<semaphore_mem>>, %arg22: memref<!tpu.dma_semaphore, #tpu.memory_space<semaphore_mem>>) attributes {dimension_semantics = [#tpu.dimension_semantics<core_parallel>, #tpu.dimension_semantics<subcore_parallel>], iteration_bounds = array<i64: 2, 16>, scalar_prefetch = 0 : i64, scratch_operands = 18 : i64, tpu.core_type = #tpu.core_type<sc_vector_subcore>, window_params = [{transform_indices = #map}, {transform_indices = #map1}, {transform_indices = #map1}]} {
    %mul3A = arith.constant 2 : i32
    %mul3A_0 = arith.muli %arg1, %mul3A : i32
    %add3A = arith.addi %mul3A_0, %arg0 : i32
    %mul3A_1 = arith.constant 128 : i32
    %mul3A_2 = arith.muli %add3A, %mul3A_1 : i32
    %mul3A_3 = arith.constant 200 : i32
    %mul3A_4 = arith.muli %mul3A_2, %mul3A_3 : i32
    "tpu.region"() ({
      %run_scoped3A = tpu.sem_alloc : memref<!tpu.dma_semaphore, #tpu.memory_space<semaphore_mem>>
      %dma_start3A_64 = tpu.memref_slice %arg2[%mul3A_4] : memref<819200xi32, #tpu.memory_space<hbm>> -> memref<25600xi32, #tpu.memory_space<hbm>>
      %dma_start3A_65 = tpu.memref_slice %arg2[%mul3A_4] : memref<819200xi32, #tpu.memory_space<hbm>> -> memref<25600xi32, #tpu.memory_space<hbm>>
      tpu.enqueue_dma source(%dma_start3A_65 : memref<25600xi32, #tpu.memory_space<hbm>>) target(%arg5 : memref<25600xi32, #tpu.memory_space<vmem>>) target_semaphore(%run_scoped3A : memref<!tpu.dma_semaphore, #tpu.memory_space<semaphore_mem>>)
      %dma_wait3A = tpu.memref_slice %arg2[%mul3A_4] : memref<819200xi32, #tpu.memory_space<hbm>> -> memref<25600xi32, #tpu.memory_space<hbm>>
      %dma_wait3A_66 = tpu.memref_slice %arg2[%mul3A_4] : memref<819200xi32, #tpu.memory_space<hbm>> -> memref<25600xi32, #tpu.memory_space<hbm>>
      tpu.wait_dma2 semaphore(%run_scoped3A : memref<!tpu.dma_semaphore, #tpu.memory_space<semaphore_mem>>) src(%dma_wait3A_66 : memref<25600xi32, #tpu.memory_space<hbm>>) dst(%arg5 : memref<25600xi32, #tpu.memory_space<vmem>>)
      tpu.yield
    }) : () -> ()
    %broadcast_in_dim3A = arith.constant 0.000000e+00 : f32
    %broadcast_in_dim3A_5 = vector.broadcast %broadcast_in_dim3A : f32 to vector<16xf32>
    %broadcast_in_dim3A_6 = arith.constant 0.000000e+00 : f32
    %broadcast_in_dim3A_7 = vector.broadcast %broadcast_in_dim3A_6 : f32 to vector<16xf32>
    %broadcast_in_dim3A_8 = arith.constant 0.000000e+00 : f32
    %broadcast_in_dim3A_9 = vector.broadcast %broadcast_in_dim3A_8 : f32 to vector<16xf32>
    %broadcast_in_dim3A_10 = arith.constant 0.000000e+00 : f32
    %broadcast_in_dim3A_11 = vector.broadcast %broadcast_in_dim3A_10 : f32 to vector<16xf32>
    %broadcast_in_dim3A_12 = arith.constant 0.000000e+00 : f32
    %broadcast_in_dim3A_13 = vector.broadcast %broadcast_in_dim3A_12 : f32 to vector<16xf32>
    %broadcast_in_dim3A_14 = arith.constant 0.000000e+00 : f32
    %broadcast_in_dim3A_15 = vector.broadcast %broadcast_in_dim3A_14 : f32 to vector<16xf32>
    %broadcast_in_dim3A_16 = arith.constant 0.000000e+00 : f32
    %broadcast_in_dim3A_17 = vector.broadcast %broadcast_in_dim3A_16 : f32 to vector<16xf32>
    %broadcast_in_dim3A_18 = arith.constant 0.000000e+00 : f32
    %broadcast_in_dim3A_19 = vector.broadcast %broadcast_in_dim3A_18 : f32 to vector<16xf32>
    %dma_start3A = arith.constant 0 : i32
    %dma_start3A_20 = tpu.memref_slice %arg5[%dma_start3A] : memref<25600xi32, #tpu.memory_space<vmem>> -> memref<56xi32, #tpu.memory_space<vmem>>
    %dma_start3A_21 = arith.constant 0 : i32
    %dma_start3A_22 = arith.constant 0 : i32
    %dma_start3A_23 = tpu.memref_slice %arg3[%dma_start3A_21, %dma_start3A_22] : memref<100000x128xf32, #tpu.memory_space<hbm>> -> memref<100000x128xf32, #tpu.memory_space<hbm>>
    tpu.enqueue_indirect_dma source(%dma_start3A_23 : memref<100000x128xf32, #tpu.memory_space<hbm>>) target(%arg7 : memref<56x128xf32, #tpu.memory_space<vmem>>) offsets(%dma_start3A_20 : memref<56xi32, #tpu.memory_space<vmem>>) semaphore(%arg15 : memref<!tpu.dma_semaphore, #tpu.memory_space<semaphore_mem>>)
    %dma_start3A_24 = arith.constant 56 : i32
    %dma_start3A_25 = tpu.memref_slice %arg5[%dma_start3A_24] : memref<25600xi32, #tpu.memory_space<vmem>> -> memref<48xi32, #tpu.memory_space<vmem>>
    %dma_start3A_26 = arith.constant 0 : i32
    %dma_start3A_27 = arith.constant 0 : i32
    %dma_start3A_28 = tpu.memref_slice %arg3[%dma_start3A_26, %dma_start3A_27] : memref<100000x128xf32, #tpu.memory_space<hbm>> -> memref<100000x128xf32, #tpu.memory_space<hbm>>
    tpu.enqueue_indirect_dma source(%dma_start3A_28 : memref<100000x128xf32, #tpu.memory_space<hbm>>) target(%arg8 : memref<48x128xf32, #tpu.memory_space<vmem>>) offsets(%dma_start3A_25 : memref<48xi32, #tpu.memory_space<vmem>>) semaphore(%arg16 : memref<!tpu.dma_semaphore, #tpu.memory_space<semaphore_mem>>)
    %dma_start3A_29 = arith.constant 104 : i32
    %dma_start3A_30 = tpu.memref_slice %arg5[%dma_start3A_29] : memref<25600xi32, #tpu.memory_space<vmem>> -> memref<48xi32, #tpu.memory_space<vmem>>
    %dma_start3A_31 = arith.constant 0 : i32
    %dma_start3A_32 = arith.constant 0 : i32
    %dma_start3A_33 = tpu.memref_slice %arg3[%dma_start3A_31, %dma_start3A_32] : memref<100000x128xf32, #tpu.memory_space<hbm>> -> memref<100000x128xf32, #tpu.memory_space<hbm>>
    tpu.enqueue_indirect_dma source(%dma_start3A_33 : memref<100000x128xf32, #tpu.memory_space<hbm>>) target(%arg9 : memref<48x128xf32, #tpu.memory_space<vmem>>) offsets(%dma_start3A_30 : memref<48xi32, #tpu.memory_space<vmem>>) semaphore(%arg17 : memref<!tpu.dma_semaphore, #tpu.memory_space<semaphore_mem>>)
    %dma_start3A_34 = arith.constant 152 : i32
    %dma_start3A_35 = tpu.memref_slice %arg5[%dma_start3A_34] : memref<25600xi32, #tpu.memory_space<vmem>> -> memref<48xi32, #tpu.memory_space<vmem>>
    %dma_start3A_36 = arith.constant 0 : i32
    %dma_start3A_37 = arith.constant 0 : i32
    %dma_start3A_38 = tpu.memref_slice %arg3[%dma_start3A_36, %dma_start3A_37] : memref<100000x128xf32, #tpu.memory_space<hbm>> -> memref<100000x128xf32, #tpu.memory_space<hbm>>
    tpu.enqueue_indirect_dma source(%dma_start3A_38 : memref<100000x128xf32, #tpu.memory_space<hbm>>) target(%arg10 : memref<48x128xf32, #tpu.memory_space<vmem>>) offsets(%dma_start3A_35 : memref<48xi32, #tpu.memory_space<vmem>>) semaphore(%arg18 : memref<!tpu.dma_semaphore, #tpu.memory_space<semaphore_mem>>)
    %dma_start3A_39 = arith.constant 200 : i32
    %dma_start3A_40 = tpu.memref_slice %arg5[%dma_start3A_39] : memref<25600xi32, #tpu.memory_space<vmem>> -> memref<56xi32, #tpu.memory_space<vmem>>
    %dma_start3A_41 = arith.constant 0 : i32
    %dma_start3A_42 = arith.constant 0 : i32
    %dma_start3A_43 = tpu.memref_slice %arg3[%dma_start3A_41, %dma_start3A_42] : memref<100000x128xf32, #tpu.memory_space<hbm>> -> memref<100000x128xf32, #tpu.memory_space<hbm>>
    tpu.enqueue_indirect_dma source(%dma_start3A_43 : memref<100000x128xf32, #tpu.memory_space<hbm>>) target(%arg11 : memref<56x128xf32, #tpu.memory_space<vmem>>) offsets(%dma_start3A_40 : memref<56xi32, #tpu.memory_space<vmem>>) semaphore(%arg19 : memref<!tpu.dma_semaphore, #tpu.memory_space<semaphore_mem>>)
    %dma_start3A_44 = arith.constant 256 : i32
    %dma_start3A_45 = tpu.memref_slice %arg5[%dma_start3A_44] : memref<25600xi32, #tpu.memory_space<vmem>> -> memref<48xi32, #tpu.memory_space<vmem>>
    %dma_start3A_46 = arith.constant 0 : i32
    %dma_start3A_47 = arith.constant 0 : i32
    %dma_start3A_48 = tpu.memref_slice %arg3[%dma_start3A_46, %dma_start3A_47] : memref<100000x128xf32, #tpu.memory_space<hbm>> -> memref<100000x128xf32, #tpu.memory_space<hbm>>
    tpu.enqueue_indirect_dma source(%dma_start3A_48 : memref<100000x128xf32, #tpu.memory_space<hbm>>) target(%arg12 : memref<48x128xf32, #tpu.memory_space<vmem>>) offsets(%dma_start3A_45 : memref<48xi32, #tpu.memory_space<vmem>>) semaphore(%arg20 : memref<!tpu.dma_semaphore, #tpu.memory_space<semaphore_mem>>)
    %dma_start3A_49 = arith.constant 304 : i32
    %dma_start3A_50 = tpu.memref_slice %arg5[%dma_start3A_49] : memref<25600xi32, #tpu.memory_space<vmem>> -> memref<48xi32, #tpu.memory_space<vmem>>
    %dma_start3A_51 = arith.constant 0 : i32
    %dma_start3A_52 = arith.constant 0 : i32
    %dma_start3A_53 = tpu.memref_slice %arg3[%dma_start3A_51, %dma_start3A_52] : memref<100000x128xf32, #tpu.memory_space<hbm>> -> memref<100000x128xf32, #tpu.memory_space<hbm>>
    tpu.enqueue_indirect_dma source(%dma_start3A_53 : memref<100000x128xf32, #tpu.memory_space<hbm>>) target(%arg13 : memref<48x128xf32, #tpu.memory_space<vmem>>) offsets(%dma_start3A_50 : memref<48xi32, #tpu.memory_space<vmem>>) semaphore(%arg21 : memref<!tpu.dma_semaphore, #tpu.memory_space<semaphore_mem>>)
    %dma_start3A_54 = arith.constant 352 : i32
    %dma_start3A_55 = tpu.memref_slice %arg5[%dma_start3A_54] : memref<25600xi32, #tpu.memory_space<vmem>> -> memref<48xi32, #tpu.memory_space<vmem>>
    %dma_start3A_56 = arith.constant 0 : i32
    %dma_start3A_57 = arith.constant 0 : i32
    %dma_start3A_58 = tpu.memref_slice %arg3[%dma_start3A_56, %dma_start3A_57] : memref<100000x128xf32, #tpu.memory_space<hbm>> -> memref<100000x128xf32, #tpu.memory_space<hbm>>
    tpu.enqueue_indirect_dma source(%dma_start3A_58 : memref<100000x128xf32, #tpu.memory_space<hbm>>) target(%arg14 : memref<48x128xf32, #tpu.memory_space<vmem>>) offsets(%dma_start3A_55 : memref<48xi32, #tpu.memory_space<vmem>>) semaphore(%arg22 : memref<!tpu.dma_semaphore, #tpu.memory_space<semaphore_mem>>)
    %scan3A = arith.constant 0 : i32
    %scan3A_59 = arith.constant 0 : i32
    %scan3A_60 = arith.constant 64 : i32
    %scan3A_61 = arith.addi %scan3A_59, %scan3A_60 : i32
    %scan3A_62 = arith.constant 1 : i32
    scf.for %scan3A_64 = %scan3A_59 to %scan3A_61 step %scan3A_62  : i32 {
      %mul3A_65 = arith.constant 2 : i32
      %mul3A_66 = arith.muli %mul3A_65, %scan3A_64 : i32
      %add3A_67 = arith.constant 0 : i32
      %add3A_68 = arith.addi %mul3A_66, %add3A_67 : i32
      %mul3A_69 = arith.constant 200 : i32
      %mul3A_70 = arith.muli %add3A_68, %mul3A_69 : i32
      %add3A_71 = arith.constant 0 : i32
      %add3A_72 = arith.addi %mul3A_70, %add3A_71 : i32
      %dma_wait3A = tpu.memref_slice %arg5[%add3A_72] : memref<25600xi32, #tpu.memory_space<vmem>> -> memref<56xi32, #tpu.memory_space<vmem>>
      %dma_wait3A_73 = arith.constant 0 : i32
      %dma_wait3A_74 = arith.constant 0 : i32
      %dma_wait3A_75 = tpu.memref_slice %arg3[%dma_wait3A_73, %dma_wait3A_74] : memref<100000x128xf32, #tpu.memory_space<hbm>> -> memref<100000x128xf32, #tpu.memory_space<hbm>>
      tpu.wait_indirect_dma semaphore(%arg15 : memref<!tpu.dma_semaphore, #tpu.memory_space<semaphore_mem>>) src(%dma_wait3A_75 : memref<100000x128xf32, #tpu.memory_space<hbm>>) dst(%arg7 : memref<56x128xf32, #tpu.memory_space<vmem>>)
      %add3A_76 = arith.constant 2 : i32
      %add3A_77 = arith.addi %add3A_68, %add3A_76 : i32
      %lt3A = arith.constant 128 : i32
      %lt3A_78 = arith.cmpi slt, %add3A_77, %lt3A : i32
      %convert_element_type3A = arith.extui %lt3A_78 : i1 to i32
      %cond3A = arith.constant 0 : i32
      %cond3A_79 = arith.cmpi ne, %convert_element_type3A, %cond3A : i32
      scf.if %cond3A_79 {
        %add3A_340 = arith.constant 2 : i32
        %add3A_341 = arith.addi %add3A_68, %add3A_340 : i32
        %mul3A_342 = arith.constant 200 : i32
        %mul3A_343 = arith.muli %add3A_341, %mul3A_342 : i32
        %add3A_344 = arith.constant 0 : i32
        %add3A_345 = arith.addi %mul3A_343, %add3A_344 : i32
        %dma_start3A_346 = tpu.memref_slice %arg5[%add3A_345] : memref<25600xi32, #tpu.memory_space<vmem>> -> memref<56xi32, #tpu.memory_space<vmem>>
        %dma_start3A_347 = arith.constant 0 : i32
        %dma_start3A_348 = arith.constant 0 : i32
        %dma_start3A_349 = tpu.memref_slice %arg3[%dma_start3A_347, %dma_start3A_348] : memref<100000x128xf32, #tpu.memory_space<hbm>> -> memref<100000x128xf32, #tpu.memory_space<hbm>>
        tpu.enqueue_indirect_dma source(%dma_start3A_349 : memref<100000x128xf32, #tpu.memory_space<hbm>>) target(%arg7 : memref<56x128xf32, #tpu.memory_space<vmem>>) offsets(%dma_start3A_346 : memref<56xi32, #tpu.memory_space<vmem>>) semaphore(%arg15 : memref<!tpu.dma_semaphore, #tpu.memory_space<semaphore_mem>>)
      } else {
      }
      %scan3A_80 = arith.constant 0 : i32
      %scan3A_81 = arith.constant 28 : i32
      %scan3A_82 = arith.addi %scan3A_80, %scan3A_81 : i32
      %scan3A_83 = arith.constant 1 : i32
      %scan3A_84:8 = scf.for %scan3A_340 = %scan3A_80 to %scan3A_82 step %scan3A_83 iter_args(%scan3A_341 = %broadcast_in_dim3A_5, %scan3A_342 = %broadcast_in_dim3A_7, %scan3A_343 = %broadcast_in_dim3A_9, %scan3A_344 = %broadcast_in_dim3A_11, %scan3A_345 = %broadcast_in_dim3A_13, %scan3A_346 = %broadcast_in_dim3A_15, %scan3A_347 = %broadcast_in_dim3A_17, %scan3A_348 = %broadcast_in_dim3A_19) -> (vector<16xf32>, vector<16xf32>, vector<16xf32>, vector<16xf32>, vector<16xf32>, vector<16xf32>, vector<16xf32>, vector<16xf32>)  : i32 {
        %mul3A_349 = arith.constant 2 : i32
        %mul3A_350 = arith.muli %mul3A_349, %scan3A_340 : i32
        %add3A_351 = arith.constant 1 : i32
        %add3A_352 = arith.addi %mul3A_350, %add3A_351 : i32
        %mul3A_353 = arith.constant 2 : i32
        %mul3A_354 = arith.muli %mul3A_353, %scan3A_340 : i32
        %get3A = arith.index_cast %mul3A_354 : i32 to index
        %get3A_355 = arith.constant 0 : index
        %get3A_356 = tpu.vector_load %arg7[%get3A, %get3A_355] {strides = array<i32>} : memref<56x128xf32, #tpu.memory_space<vmem>>, vector<1x16xf32>,
        %get3A_357 = vector.shape_cast %get3A_356 : vector<1x16xf32> to vector<16xf32>
        %add3A_358 = arith.addf %scan3A_341, %get3A_357 : vector<16xf32>
        %get3A_359 = arith.index_cast %mul3A_354 : i32 to index
        %get3A_360 = arith.constant 16 : index
        %get3A_361 = tpu.vector_load %arg7[%get3A_359, %get3A_360] {strides = array<i32>} : memref<56x128xf32, #tpu.memory_space<vmem>>, vector<1x16xf32>,
        %get3A_362 = vector.shape_cast %get3A_361 : vector<1x16xf32> to vector<16xf32>
        %add3A_363 = arith.addf %scan3A_342, %get3A_362 : vector<16xf32>
        %get3A_364 = arith.index_cast %mul3A_354 : i32 to index
        %get3A_365 = arith.constant 32 : index
        %get3A_366 = tpu.vector_load %arg7[%get3A_364, %get3A_365] {strides = array<i32>} : memref<56x128xf32, #tpu.memory_space<vmem>>, vector<1x16xf32>,
        %get3A_367 = vector.shape_cast %get3A_366 : vector<1x16xf32> to vector<16xf32>
        %add3A_368 = arith.addf %scan3A_343, %get3A_367 : vector<16xf32>
        %get3A_369 = arith.index_cast %mul3A_354 : i32 to index
        %get3A_370 = arith.constant 48 : index
        %get3A_371 = tpu.vector_load %arg7[%get3A_369, %get3A_370] {strides = array<i32>} : memref<56x128xf32, #tpu.memory_space<vmem>>, vector<1x16xf32>,
        %get3A_372 = vector.shape_cast %get3A_371 : vector<1x16xf32> to vector<16xf32>
        %add3A_373 = arith.addf %scan3A_344, %get3A_372 : vector<16xf32>
        %get3A_374 = arith.index_cast %mul3A_354 : i32 to index
        %get3A_375 = arith.constant 64 : index
        %get3A_376 = tpu.vector_load %arg7[%get3A_374, %get3A_375] {strides = array<i32>} : memref<56x128xf32, #tpu.memory_space<vmem>>, vector<1x16xf32>,
        %get3A_377 = vector.shape_cast %get3A_376 : vector<1x16xf32> to vector<16xf32>
        %add3A_378 = arith.addf %scan3A_345, %get3A_377 : vector<16xf32>
        %get3A_379 = arith.index_cast %mul3A_354 : i32 to index
        %get3A_380 = arith.constant 80 : index
        %get3A_381 = tpu.vector_load %arg7[%get3A_379, %get3A_380] {strides = array<i32>} : memref<56x128xf32, #tpu.memory_space<vmem>>, vector<1x16xf32>,
        %get3A_382 = vector.shape_cast %get3A_381 : vector<1x16xf32> to vector<16xf32>
        %add3A_383 = arith.addf %scan3A_346, %get3A_382 : vector<16xf32>
        %get3A_384 = arith.index_cast %mul3A_354 : i32 to index
        %get3A_385 = arith.constant 96 : index
        %get3A_386 = tpu.vector_load %arg7[%get3A_384, %get3A_385] {strides = array<i32>} : memref<56x128xf32, #tpu.memory_space<vmem>>, vector<1x16xf32>,
        %get3A_387 = vector.shape_cast %get3A_386 : vector<1x16xf32> to vector<16xf32>
        %add3A_388 = arith.addf %scan3A_347, %get3A_387 : vector<16xf32>
        %get3A_389 = arith.index_cast %mul3A_354 : i32 to index
        %get3A_390 = arith.constant 112 : index
        %get3A_391 = tpu.vector_load %arg7[%get3A_389, %get3A_390] {strides = array<i32>} : memref<56x128xf32, #tpu.memory_space<vmem>>, vector<1x16xf32>,
        %get3A_392 = vector.shape_cast %get3A_391 : vector<1x16xf32> to vector<16xf32>
        %add3A_393 = arith.addf %scan3A_348, %get3A_392 : vector<16xf32>
        %get3A_394 = arith.index_cast %add3A_352 : i32 to index
        %get3A_395 = arith.constant 0 : index
        %get3A_396 = tpu.vector_load %arg7[%get3A_394, %get3A_395] {strides = array<i32>} : memref<56x128xf32, #tpu.memory_space<vmem>>, vector<1x16xf32>,
        %get3A_397 = vector.shape_cast %get3A_396 : vector<1x16xf32> to vector<16xf32>
        %add3A_398 = arith.addf %add3A_358, %get3A_397 : vector<16xf32>
        %get3A_399 = arith.index_cast %add3A_352 : i32 to index
        %get3A_400 = arith.constant 16 : index
        %get3A_401 = tpu.vector_load %arg7[%get3A_399, %get3A_400] {strides = array<i32>} : memref<56x128xf32, #tpu.memory_space<vmem>>, vector<1x16xf32>,
        %get3A_402 = vector.shape_cast %get3A_401 : vector<1x16xf32> to vector<16xf32>
        %add3A_403 = arith.addf %add3A_363, %get3A_402 : vector<16xf32>
        %get3A_404 = arith.index_cast %add3A_352 : i32 to index
        %get3A_405 = arith.constant 32 : index
        %get3A_406 = tpu.vector_load %arg7[%get3A_404, %get3A_405] {strides = array<i32>} : memref<56x128xf32, #tpu.memory_space<vmem>>, vector<1x16xf32>,
        %get3A_407 = vector.shape_cast %get3A_406 : vector<1x16xf32> to vector<16xf32>
        %add3A_408 = arith.addf %add3A_368, %get3A_407 : vector<16xf32>
        %get3A_409 = arith.index_cast %add3A_352 : i32 to index
        %get3A_410 = arith.constant 48 : index
        %get3A_411 = tpu.vector_load %arg7[%get3A_409, %get3A_410] {strides = array<i32>} : memref<56x128xf32, #tpu.memory_space<vmem>>, vector<1x16xf32>,
        %get3A_412 = vector.shape_cast %get3A_411 : vector<1x16xf32> to vector<16xf32>
        %add3A_413 = arith.addf %add3A_373, %get3A_412 : vector<16xf32>
        %get3A_414 = arith.index_cast %add3A_352 : i32 to index
        %get3A_415 = arith.constant 64 : index
        %get3A_416 = tpu.vector_load %arg7[%get3A_414, %get3A_415] {strides = array<i32>} : memref<56x128xf32, #tpu.memory_space<vmem>>, vector<1x16xf32>,
        %get3A_417 = vector.shape_cast %get3A_416 : vector<1x16xf32> to vector<16xf32>
        %add3A_418 = arith.addf %add3A_378, %get3A_417 : vector<16xf32>
        %get3A_419 = arith.index_cast %add3A_352 : i32 to index
        %get3A_420 = arith.constant 80 : index
        %get3A_421 = tpu.vector_load %arg7[%get3A_419, %get3A_420] {strides = array<i32>} : memref<56x128xf32, #tpu.memory_space<vmem>>, vector<1x16xf32>,
        %get3A_422 = vector.shape_cast %get3A_421 : vector<1x16xf32> to vector<16xf32>
        %add3A_423 = arith.addf %add3A_383, %get3A_422 : vector<16xf32>
        %get3A_424 = arith.index_cast %add3A_352 : i32 to index
        %get3A_425 = arith.constant 96 : index
        %get3A_426 = tpu.vector_load %arg7[%get3A_424, %get3A_425] {strides = array<i32>} : memref<56x128xf32, #tpu.memory_space<vmem>>, vector<1x16xf32>,
        %get3A_427 = vector.shape_cast %get3A_426 : vector<1x16xf32> to vector<16xf32>
        %add3A_428 = arith.addf %add3A_388, %get3A_427 : vector<16xf32>
        %get3A_429 = arith.index_cast %add3A_352 : i32 to index
        %get3A_430 = arith.constant 112 : index
        %get3A_431 = tpu.vector_load %arg7[%get3A_429, %get3A_430] {strides = array<i32>} : memref<56x128xf32, #tpu.memory_space<vmem>>, vector<1x16xf32>,
        %get3A_432 = vector.shape_cast %get3A_431 : vector<1x16xf32> to vector<16xf32>
        %add3A_433 = arith.addf %add3A_393, %get3A_432 : vector<16xf32>
        scf.yield %add3A_398, %add3A_403, %add3A_408, %add3A_413, %add3A_418, %add3A_423, %add3A_428, %add3A_433 : vector<16xf32>, vector<16xf32>, vector<16xf32>, vector<16xf32>, vector<16xf32>, vector<16xf32>, vector<16xf32>, vector<16xf32>
      }
      %scan3A_85 = arith.constant 28 : i32
      %mul3A_86 = arith.constant 2 : i32
      %mul3A_87 = arith.muli %mul3A_86, %scan3A_64 : i32
      %add3A_88 = arith.constant 0 : i32
      %add3A_89 = arith.addi %mul3A_87, %add3A_88 : i32
      %mul3A_90 = arith.constant 200 : i32
      %mul3A_91 = arith.muli %add3A_89, %mul3A_90 : i32
      %add3A_92 = arith.constant 56 : i32
      %add3A_93 = arith.addi %mul3A_91, %add3A_92 : i32
      %dma_wait3A_94 = tpu.memref_slice %arg5[%add3A_93] : memref<25600xi32, #tpu.memory_space<vmem>> -> memref<48xi32, #tpu.memory_space<vmem>>
      %dma_wait3A_95 = arith.constant 0 : i32
      %dma_wait3A_96 = arith.constant 0 : i32
      %dma_wait3A_97 = tpu.memref_slice %arg3[%dma_wait3A_95, %dma_wait3A_96] : memref<100000x128xf32, #tpu.memory_space<hbm>> -> memref<100000x128xf32, #tpu.memory_space<hbm>>
      tpu.wait_indirect_dma semaphore(%arg16 : memref<!tpu.dma_semaphore, #tpu.memory_space<semaphore_mem>>) src(%dma_wait3A_97 : memref<100000x128xf32, #tpu.memory_space<hbm>>) dst(%arg8 : memref<48x128xf32, #tpu.memory_space<vmem>>)
      %add3A_98 = arith.constant 2 : i32
      %add3A_99 = arith.addi %add3A_89, %add3A_98 : i32
      %lt3A_100 = arith.constant 128 : i32
      %lt3A_101 = arith.cmpi slt, %add3A_99, %lt3A_100 : i32
      %convert_element_type3A_102 = arith.extui %lt3A_101 : i1 to i32
      %cond3A_103 = arith.constant 0 : i32
      %cond3A_104 = arith.cmpi ne, %convert_element_type3A_102, %cond3A_103 : i32
      scf.if %cond3A_104 {
        %add3A_340 = arith.constant 2 : i32
        %add3A_341 = arith.addi %add3A_89, %add3A_340 : i32
        %mul3A_342 = arith.constant 200 : i32
        %mul3A_343 = arith.muli %add3A_341, %mul3A_342 : i32
        %add3A_344 = arith.constant 56 : i32
        %add3A_345 = arith.addi %mul3A_343, %add3A_344 : i32
        %dma_start3A_346 = tpu.memref_slice %arg5[%add3A_345] : memref<25600xi32, #tpu.memory_space<vmem>> -> memref<48xi32, #tpu.memory_space<vmem>>
        %dma_start3A_347 = arith.constant 0 : i32
        %dma_start3A_348 = arith.constant 0 : i32
        %dma_start3A_349 = tpu.memref_slice %arg3[%dma_start3A_347, %dma_start3A_348] : memref<100000x128xf32, #tpu.memory_space<hbm>> -> memref<100000x128xf32, #tpu.memory_space<hbm>>
        tpu.enqueue_indirect_dma source(%dma_start3A_349 : memref<100000x128xf32, #tpu.memory_space<hbm>>) target(%arg8 : memref<48x128xf32, #tpu.memory_space<vmem>>) offsets(%dma_start3A_346 : memref<48xi32, #tpu.memory_space<vmem>>) semaphore(%arg16 : memref<!tpu.dma_semaphore, #tpu.memory_space<semaphore_mem>>)
      } else {
      }
      %scan3A_105 = arith.constant 0 : i32
      %scan3A_106 = arith.constant 24 : i32
      %scan3A_107 = arith.addi %scan3A_105, %scan3A_106 : i32
      %scan3A_108 = arith.constant 1 : i32
      %scan3A_109:8 = scf.for %scan3A_340 = %scan3A_105 to %scan3A_107 step %scan3A_108 iter_args(%scan3A_341 = %scan3A_84#0, %scan3A_342 = %scan3A_84#1, %scan3A_343 = %scan3A_84#2, %scan3A_344 = %scan3A_84#3, %scan3A_345 = %scan3A_84#4, %scan3A_346 = %scan3A_84#5, %scan3A_347 = %scan3A_84#6, %scan3A_348 = %scan3A_84#7) -> (vector<16xf32>, vector<16xf32>, vector<16xf32>, vector<16xf32>, vector<16xf32>, vector<16xf32>, vector<16xf32>, vector<16xf32>)  : i32 {
        %mul3A_349 = arith.constant 2 : i32
        %mul3A_350 = arith.muli %mul3A_349, %scan3A_340 : i32
        %add3A_351 = arith.constant 1 : i32
        %add3A_352 = arith.addi %mul3A_350, %add3A_351 : i32
        %mul3A_353 = arith.constant 2 : i32
        %mul3A_354 = arith.muli %mul3A_353, %scan3A_340 : i32
        %get3A = arith.index_cast %mul3A_354 : i32 to index
        %get3A_355 = arith.constant 0 : index
        %get3A_356 = tpu.vector_load %arg8[%get3A, %get3A_355] {strides = array<i32>} : memref<48x128xf32, #tpu.memory_space<vmem>>, vector<1x16xf32>,
        %get3A_357 = vector.shape_cast %get3A_356 : vector<1x16xf32> to vector<16xf32>
        %add3A_358 = arith.addf %scan3A_341, %get3A_357 : vector<16xf32>
        %get3A_359 = arith.index_cast %mul3A_354 : i32 to index
        %get3A_360 = arith.constant 16 : index
        %get3A_361 = tpu.vector_load %arg8[%get3A_359, %get3A_360] {strides = array<i32>} : memref<48x128xf32, #tpu.memory_space<vmem>>, vector<1x16xf32>,
        %get3A_362 = vector.shape_cast %get3A_361 : vector<1x16xf32> to vector<16xf32>
        %add3A_363 = arith.addf %scan3A_342, %get3A_362 : vector<16xf32>
        %get3A_364 = arith.index_cast %mul3A_354 : i32 to index
        %get3A_365 = arith.constant 32 : index
        %get3A_366 = tpu.vector_load %arg8[%get3A_364, %get3A_365] {strides = array<i32>} : memref<48x128xf32, #tpu.memory_space<vmem>>, vector<1x16xf32>,
        %get3A_367 = vector.shape_cast %get3A_366 : vector<1x16xf32> to vector<16xf32>
        %add3A_368 = arith.addf %scan3A_343, %get3A_367 : vector<16xf32>
        %get3A_369 = arith.index_cast %mul3A_354 : i32 to index
        %get3A_370 = arith.constant 48 : index
        %get3A_371 = tpu.vector_load %arg8[%get3A_369, %get3A_370] {strides = array<i32>} : memref<48x128xf32, #tpu.memory_space<vmem>>, vector<1x16xf32>,
        %get3A_372 = vector.shape_cast %get3A_371 : vector<1x16xf32> to vector<16xf32>
        %add3A_373 = arith.addf %scan3A_344, %get3A_372 : vector<16xf32>
        %get3A_374 = arith.index_cast %mul3A_354 : i32 to index
        %get3A_375 = arith.constant 64 : index
        %get3A_376 = tpu.vector_load %arg8[%get3A_374, %get3A_375] {strides = array<i32>} : memref<48x128xf32, #tpu.memory_space<vmem>>, vector<1x16xf32>,
        %get3A_377 = vector.shape_cast %get3A_376 : vector<1x16xf32> to vector<16xf32>
        %add3A_378 = arith.addf %scan3A_345, %get3A_377 : vector<16xf32>
        %get3A_379 = arith.index_cast %mul3A_354 : i32 to index
        %get3A_380 = arith.constant 80 : index
        %get3A_381 = tpu.vector_load %arg8[%get3A_379, %get3A_380] {strides = array<i32>} : memref<48x128xf32, #tpu.memory_space<vmem>>, vector<1x16xf32>,
        %get3A_382 = vector.shape_cast %get3A_381 : vector<1x16xf32> to vector<16xf32>
        %add3A_383 = arith.addf %scan3A_346, %get3A_382 : vector<16xf32>
        %get3A_384 = arith.index_cast %mul3A_354 : i32 to index
        %get3A_385 = arith.constant 96 : index
        %get3A_386 = tpu.vector_load %arg8[%get3A_384, %get3A_385] {strides = array<i32>} : memref<48x128xf32, #tpu.memory_space<vmem>>, vector<1x16xf32>,
        %get3A_387 = vector.shape_cast %get3A_386 : vector<1x16xf32> to vector<16xf32>
        %add3A_388 = arith.addf %scan3A_347, %get3A_387 : vector<16xf32>
        %get3A_389 = arith.index_cast %mul3A_354 : i32 to index
        %get3A_390 = arith.constant 112 : index
        %get3A_391 = tpu.vector_load %arg8[%get3A_389, %get3A_390] {strides = array<i32>} : memref<48x128xf32, #tpu.memory_space<vmem>>, vector<1x16xf32>,
        %get3A_392 = vector.shape_cast %get3A_391 : vector<1x16xf32> to vector<16xf32>
        %add3A_393 = arith.addf %scan3A_348, %get3A_392 : vector<16xf32>
        %get3A_394 = arith.index_cast %add3A_352 : i32 to index
        %get3A_395 = arith.constant 0 : index
        %get3A_396 = tpu.vector_load %arg8[%get3A_394, %get3A_395] {strides = array<i32>} : memref<48x128xf32, #tpu.memory_space<vmem>>, vector<1x16xf32>,
        %get3A_397 = vector.shape_cast %get3A_396 : vector<1x16xf32> to vector<16xf32>
        %add3A_398 = arith.addf %add3A_358, %get3A_397 : vector<16xf32>
        %get3A_399 = arith.index_cast %add3A_352 : i32 to index
        %get3A_400 = arith.constant 16 : index
        %get3A_401 = tpu.vector_load %arg8[%get3A_399, %get3A_400] {strides = array<i32>} : memref<48x128xf32, #tpu.memory_space<vmem>>, vector<1x16xf32>,
        %get3A_402 = vector.shape_cast %get3A_401 : vector<1x16xf32> to vector<16xf32>
        %add3A_403 = arith.addf %add3A_363, %get3A_402 : vector<16xf32>
        %get3A_404 = arith.index_cast %add3A_352 : i32 to index
        %get3A_405 = arith.constant 32 : index
        %get3A_406 = tpu.vector_load %arg8[%get3A_404, %get3A_405] {strides = array<i32>} : memref<48x128xf32, #tpu.memory_space<vmem>>, vector<1x16xf32>,
        %get3A_407 = vector.shape_cast %get3A_406 : vector<1x16xf32> to vector<16xf32>
        %add3A_408 = arith.addf %add3A_368, %get3A_407 : vector<16xf32>
        %get3A_409 = arith.index_cast %add3A_352 : i32 to index
        %get3A_410 = arith.constant 48 : index
        %get3A_411 = tpu.vector_load %arg8[%get3A_409, %get3A_410] {strides = array<i32>} : memref<48x128xf32, #tpu.memory_space<vmem>>, vector<1x16xf32>,
        %get3A_412 = vector.shape_cast %get3A_411 : vector<1x16xf32> to vector<16xf32>
        %add3A_413 = arith.addf %add3A_373, %get3A_412 : vector<16xf32>
        %get3A_414 = arith.index_cast %add3A_352 : i32 to index
        %get3A_415 = arith.constant 64 : index
        %get3A_416 = tpu.vector_load %arg8[%get3A_414, %get3A_415] {strides = array<i32>} : memref<48x128xf32, #tpu.memory_space<vmem>>, vector<1x16xf32>,
        %get3A_417 = vector.shape_cast %get3A_416 : vector<1x16xf32> to vector<16xf32>
        %add3A_418 = arith.addf %add3A_378, %get3A_417 : vector<16xf32>
        %get3A_419 = arith.index_cast %add3A_352 : i32 to index
        %get3A_420 = arith.constant 80 : index
        %get3A_421 = tpu.vector_load %arg8[%get3A_419, %get3A_420] {strides = array<i32>} : memref<48x128xf32, #tpu.memory_space<vmem>>, vector<1x16xf32>,
        %get3A_422 = vector.shape_cast %get3A_421 : vector<1x16xf32> to vector<16xf32>
        %add3A_423 = arith.addf %add3A_383, %get3A_422 : vector<16xf32>
        %get3A_424 = arith.index_cast %add3A_352 : i32 to index
        %get3A_425 = arith.constant 96 : index
        %get3A_426 = tpu.vector_load %arg8[%get3A_424, %get3A_425] {strides = array<i32>} : memref<48x128xf32, #tpu.memory_space<vmem>>, vector<1x16xf32>,
        %get3A_427 = vector.shape_cast %get3A_426 : vector<1x16xf32> to vector<16xf32>
        %add3A_428 = arith.addf %add3A_388, %get3A_427 : vector<16xf32>
        %get3A_429 = arith.index_cast %add3A_352 : i32 to index
        %get3A_430 = arith.constant 112 : index
        %get3A_431 = tpu.vector_load %arg8[%get3A_429, %get3A_430] {strides = array<i32>} : memref<48x128xf32, #tpu.memory_space<vmem>>, vector<1x16xf32>,
        %get3A_432 = vector.shape_cast %get3A_431 : vector<1x16xf32> to vector<16xf32>
        %add3A_433 = arith.addf %add3A_393, %get3A_432 : vector<16xf32>
        scf.yield %add3A_398, %add3A_403, %add3A_408, %add3A_413, %add3A_418, %add3A_423, %add3A_428, %add3A_433 : vector<16xf32>, vector<16xf32>, vector<16xf32>, vector<16xf32>, vector<16xf32>, vector<16xf32>, vector<16xf32>, vector<16xf32>
      }
      %scan3A_110 = arith.constant 24 : i32
      %mul3A_111 = arith.constant 2 : i32
      %mul3A_112 = arith.muli %mul3A_111, %scan3A_64 : i32
      %add3A_113 = arith.constant 0 : i32
      %add3A_114 = arith.addi %mul3A_112, %add3A_113 : i32
      %mul3A_115 = arith.constant 200 : i32
      %mul3A_116 = arith.muli %add3A_114, %mul3A_115 : i32
      %add3A_117 = arith.constant 104 : i32
      %add3A_118 = arith.addi %mul3A_116, %add3A_117 : i32
      %dma_wait3A_119 = tpu.memref_slice %arg5[%add3A_118] : memref<25600xi32, #tpu.memory_space<vmem>> -> memref<48xi32, #tpu.memory_space<vmem>>
      %dma_wait3A_120 = arith.constant 0 : i32
      %dma_wait3A_121 = arith.constant 0 : i32
      %dma_wait3A_122 = tpu.memref_slice %arg3[%dma_wait3A_120, %dma_wait3A_121] : memref<100000x128xf32, #tpu.memory_space<hbm>> -> memref<100000x128xf32, #tpu.memory_space<hbm>>
      tpu.wait_indirect_dma semaphore(%arg17 : memref<!tpu.dma_semaphore, #tpu.memory_space<semaphore_mem>>) src(%dma_wait3A_122 : memref<100000x128xf32, #tpu.memory_space<hbm>>) dst(%arg9 : memref<48x128xf32, #tpu.memory_space<vmem>>)
      %add3A_123 = arith.constant 2 : i32
      %add3A_124 = arith.addi %add3A_114, %add3A_123 : i32
      %lt3A_125 = arith.constant 128 : i32
      %lt3A_126 = arith.cmpi slt, %add3A_124, %lt3A_125 : i32
      %convert_element_type3A_127 = arith.extui %lt3A_126 : i1 to i32
      %cond3A_128 = arith.constant 0 : i32
      %cond3A_129 = arith.cmpi ne, %convert_element_type3A_127, %cond3A_128 : i32
      scf.if %cond3A_129 {
        %add3A_340 = arith.constant 2 : i32
        %add3A_341 = arith.addi %add3A_114, %add3A_340 : i32
        %mul3A_342 = arith.constant 200 : i32
        %mul3A_343 = arith.muli %add3A_341, %mul3A_342 : i32
        %add3A_344 = arith.constant 104 : i32
        %add3A_345 = arith.addi %mul3A_343, %add3A_344 : i32
        %dma_start3A_346 = tpu.memref_slice %arg5[%add3A_345] : memref<25600xi32, #tpu.memory_space<vmem>> -> memref<48xi32, #tpu.memory_space<vmem>>
        %dma_start3A_347 = arith.constant 0 : i32
        %dma_start3A_348 = arith.constant 0 : i32
        %dma_start3A_349 = tpu.memref_slice %arg3[%dma_start3A_347, %dma_start3A_348] : memref<100000x128xf32, #tpu.memory_space<hbm>> -> memref<100000x128xf32, #tpu.memory_space<hbm>>
        tpu.enqueue_indirect_dma source(%dma_start3A_349 : memref<100000x128xf32, #tpu.memory_space<hbm>>) target(%arg9 : memref<48x128xf32, #tpu.memory_space<vmem>>) offsets(%dma_start3A_346 : memref<48xi32, #tpu.memory_space<vmem>>) semaphore(%arg17 : memref<!tpu.dma_semaphore, #tpu.memory_space<semaphore_mem>>)
      } else {
      }
      %scan3A_130 = arith.constant 0 : i32
      %scan3A_131 = arith.constant 24 : i32
      %scan3A_132 = arith.addi %scan3A_130, %scan3A_131 : i32
      %scan3A_133 = arith.constant 1 : i32
      %scan3A_134:8 = scf.for %scan3A_340 = %scan3A_130 to %scan3A_132 step %scan3A_133 iter_args(%scan3A_341 = %scan3A_109#0, %scan3A_342 = %scan3A_109#1, %scan3A_343 = %scan3A_109#2, %scan3A_344 = %scan3A_109#3, %scan3A_345 = %scan3A_109#4, %scan3A_346 = %scan3A_109#5, %scan3A_347 = %scan3A_109#6, %scan3A_348 = %scan3A_109#7) -> (vector<16xf32>, vector<16xf32>, vector<16xf32>, vector<16xf32>, vector<16xf32>, vector<16xf32>, vector<16xf32>, vector<16xf32>)  : i32 {
        %mul3A_349 = arith.constant 2 : i32
        %mul3A_350 = arith.muli %mul3A_349, %scan3A_340 : i32
        %add3A_351 = arith.constant 1 : i32
        %add3A_352 = arith.addi %mul3A_350, %add3A_351 : i32
        %mul3A_353 = arith.constant 2 : i32
        %mul3A_354 = arith.muli %mul3A_353, %scan3A_340 : i32
        %get3A = arith.index_cast %mul3A_354 : i32 to index
        %get3A_355 = arith.constant 0 : index
        %get3A_356 = tpu.vector_load %arg9[%get3A, %get3A_355] {strides = array<i32>} : memref<48x128xf32, #tpu.memory_space<vmem>>, vector<1x16xf32>,
        %get3A_357 = vector.shape_cast %get3A_356 : vector<1x16xf32> to vector<16xf32>
        %add3A_358 = arith.addf %scan3A_341, %get3A_357 : vector<16xf32>
        %get3A_359 = arith.index_cast %mul3A_354 : i32 to index
        %get3A_360 = arith.constant 16 : index
        %get3A_361 = tpu.vector_load %arg9[%get3A_359, %get3A_360] {strides = array<i32>} : memref<48x128xf32, #tpu.memory_space<vmem>>, vector<1x16xf32>,
        %get3A_362 = vector.shape_cast %get3A_361 : vector<1x16xf32> to vector<16xf32>
        %add3A_363 = arith.addf %scan3A_342, %get3A_362 : vector<16xf32>
        %get3A_364 = arith.index_cast %mul3A_354 : i32 to index
        %get3A_365 = arith.constant 32 : index
        %get3A_366 = tpu.vector_load %arg9[%get3A_364, %get3A_365] {strides = array<i32>} : memref<48x128xf32, #tpu.memory_space<vmem>>, vector<1x16xf32>,
        %get3A_367 = vector.shape_cast %get3A_366 : vector<1x16xf32> to vector<16xf32>
        %add3A_368 = arith.addf %scan3A_343, %get3A_367 : vector<16xf32>
        %get3A_369 = arith.index_cast %mul3A_354 : i32 to index
        %get3A_370 = arith.constant 48 : index
        %get3A_371 = tpu.vector_load %arg9[%get3A_369, %get3A_370] {strides = array<i32>} : memref<48x128xf32, #tpu.memory_space<vmem>>, vector<1x16xf32>,
        %get3A_372 = vector.shape_cast %get3A_371 : vector<1x16xf32> to vector<16xf32>
        %add3A_373 = arith.addf %scan3A_344, %get3A_372 : vector<16xf32>
        %get3A_374 = arith.index_cast %mul3A_354 : i32 to index
        %get3A_375 = arith.constant 64 : index
        %get3A_376 = tpu.vector_load %arg9[%get3A_374, %get3A_375] {strides = array<i32>} : memref<48x128xf32, #tpu.memory_space<vmem>>, vector<1x16xf32>,
        %get3A_377 = vector.shape_cast %get3A_376 : vector<1x16xf32> to vector<16xf32>
        %add3A_378 = arith.addf %scan3A_345, %get3A_377 : vector<16xf32>
        %get3A_379 = arith.index_cast %mul3A_354 : i32 to index
        %get3A_380 = arith.constant 80 : index
        %get3A_381 = tpu.vector_load %arg9[%get3A_379, %get3A_380] {strides = array<i32>} : memref<48x128xf32, #tpu.memory_space<vmem>>, vector<1x16xf32>,
        %get3A_382 = vector.shape_cast %get3A_381 : vector<1x16xf32> to vector<16xf32>
        %add3A_383 = arith.addf %scan3A_346, %get3A_382 : vector<16xf32>
        %get3A_384 = arith.index_cast %mul3A_354 : i32 to index
        %get3A_385 = arith.constant 96 : index
        %get3A_386 = tpu.vector_load %arg9[%get3A_384, %get3A_385] {strides = array<i32>} : memref<48x128xf32, #tpu.memory_space<vmem>>, vector<1x16xf32>,
        %get3A_387 = vector.shape_cast %get3A_386 : vector<1x16xf32> to vector<16xf32>
        %add3A_388 = arith.addf %scan3A_347, %get3A_387 : vector<16xf32>
        %get3A_389 = arith.index_cast %mul3A_354 : i32 to index
        %get3A_390 = arith.constant 112 : index
        %get3A_391 = tpu.vector_load %arg9[%get3A_389, %get3A_390] {strides = array<i32>} : memref<48x128xf32, #tpu.memory_space<vmem>>, vector<1x16xf32>,
        %get3A_392 = vector.shape_cast %get3A_391 : vector<1x16xf32> to vector<16xf32>
        %add3A_393 = arith.addf %scan3A_348, %get3A_392 : vector<16xf32>
        %get3A_394 = arith.index_cast %add3A_352 : i32 to index
        %get3A_395 = arith.constant 0 : index
        %get3A_396 = tpu.vector_load %arg9[%get3A_394, %get3A_395] {strides = array<i32>} : memref<48x128xf32, #tpu.memory_space<vmem>>, vector<1x16xf32>,
        %get3A_397 = vector.shape_cast %get3A_396 : vector<1x16xf32> to vector<16xf32>
        %add3A_398 = arith.addf %add3A_358, %get3A_397 : vector<16xf32>
        %get3A_399 = arith.index_cast %add3A_352 : i32 to index
        %get3A_400 = arith.constant 16 : index
        %get3A_401 = tpu.vector_load %arg9[%get3A_399, %get3A_400] {strides = array<i32>} : memref<48x128xf32, #tpu.memory_space<vmem>>, vector<1x16xf32>,
        %get3A_402 = vector.shape_cast %get3A_401 : vector<1x16xf32> to vector<16xf32>
        %add3A_403 = arith.addf %add3A_363, %get3A_402 : vector<16xf32>
        %get3A_404 = arith.index_cast %add3A_352 : i32 to index
        %get3A_405 = arith.constant 32 : index
        %get3A_406 = tpu.vector_load %arg9[%get3A_404, %get3A_405] {strides = array<i32>} : memref<48x128xf32, #tpu.memory_space<vmem>>, vector<1x16xf32>,
        %get3A_407 = vector.shape_cast %get3A_406 : vector<1x16xf32> to vector<16xf32>
        %add3A_408 = arith.addf %add3A_368, %get3A_407 : vector<16xf32>
        %get3A_409 = arith.index_cast %add3A_352 : i32 to index
        %get3A_410 = arith.constant 48 : index
        %get3A_411 = tpu.vector_load %arg9[%get3A_409, %get3A_410] {strides = array<i32>} : memref<48x128xf32, #tpu.memory_space<vmem>>, vector<1x16xf32>,
        %get3A_412 = vector.shape_cast %get3A_411 : vector<1x16xf32> to vector<16xf32>
        %add3A_413 = arith.addf %add3A_373, %get3A_412 : vector<16xf32>
        %get3A_414 = arith.index_cast %add3A_352 : i32 to index
        %get3A_415 = arith.constant 64 : index
        %get3A_416 = tpu.vector_load %arg9[%get3A_414, %get3A_415] {strides = array<i32>} : memref<48x128xf32, #tpu.memory_space<vmem>>, vector<1x16xf32>,
        %get3A_417 = vector.shape_cast %get3A_416 : vector<1x16xf32> to vector<16xf32>
        %add3A_418 = arith.addf %add3A_378, %get3A_417 : vector<16xf32>
        %get3A_419 = arith.index_cast %add3A_352 : i32 to index
        %get3A_420 = arith.constant 80 : index
        %get3A_421 = tpu.vector_load %arg9[%get3A_419, %get3A_420] {strides = array<i32>} : memref<48x128xf32, #tpu.memory_space<vmem>>, vector<1x16xf32>,
        %get3A_422 = vector.shape_cast %get3A_421 : vector<1x16xf32> to vector<16xf32>
        %add3A_423 = arith.addf %add3A_383, %get3A_422 : vector<16xf32>
        %get3A_424 = arith.index_cast %add3A_352 : i32 to index
        %get3A_425 = arith.constant 96 : index
        %get3A_426 = tpu.vector_load %arg9[%get3A_424, %get3A_425] {strides = array<i32>} : memref<48x128xf32, #tpu.memory_space<vmem>>, vector<1x16xf32>,
        %get3A_427 = vector.shape_cast %get3A_426 : vector<1x16xf32> to vector<16xf32>
        %add3A_428 = arith.addf %add3A_388, %get3A_427 : vector<16xf32>
        %get3A_429 = arith.index_cast %add3A_352 : i32 to index
        %get3A_430 = arith.constant 112 : index
        %get3A_431 = tpu.vector_load %arg9[%get3A_429, %get3A_430] {strides = array<i32>} : memref<48x128xf32, #tpu.memory_space<vmem>>, vector<1x16xf32>,
        %get3A_432 = vector.shape_cast %get3A_431 : vector<1x16xf32> to vector<16xf32>
        %add3A_433 = arith.addf %add3A_393, %get3A_432 : vector<16xf32>
        scf.yield %add3A_398, %add3A_403, %add3A_408, %add3A_413, %add3A_418, %add3A_423, %add3A_428, %add3A_433 : vector<16xf32>, vector<16xf32>, vector<16xf32>, vector<16xf32>, vector<16xf32>, vector<16xf32>, vector<16xf32>, vector<16xf32>
      }
      %scan3A_135 = arith.constant 24 : i32
      %mul3A_136 = arith.constant 2 : i32
      %mul3A_137 = arith.muli %mul3A_136, %scan3A_64 : i32
      %add3A_138 = arith.constant 0 : i32
      %add3A_139 = arith.addi %mul3A_137, %add3A_138 : i32
      %mul3A_140 = arith.constant 200 : i32
      %mul3A_141 = arith.muli %add3A_139, %mul3A_140 : i32
      %add3A_142 = arith.constant 152 : i32
      %add3A_143 = arith.addi %mul3A_141, %add3A_142 : i32
      %dma_wait3A_144 = tpu.memref_slice %arg5[%add3A_143] : memref<25600xi32, #tpu.memory_space<vmem>> -> memref<48xi32, #tpu.memory_space<vmem>>
      %dma_wait3A_145 = arith.constant 0 : i32
      %dma_wait3A_146 = arith.constant 0 : i32
      %dma_wait3A_147 = tpu.memref_slice %arg3[%dma_wait3A_145, %dma_wait3A_146] : memref<100000x128xf32, #tpu.memory_space<hbm>> -> memref<100000x128xf32, #tpu.memory_space<hbm>>
      tpu.wait_indirect_dma semaphore(%arg18 : memref<!tpu.dma_semaphore, #tpu.memory_space<semaphore_mem>>) src(%dma_wait3A_147 : memref<100000x128xf32, #tpu.memory_space<hbm>>) dst(%arg10 : memref<48x128xf32, #tpu.memory_space<vmem>>)
      %add3A_148 = arith.constant 2 : i32
      %add3A_149 = arith.addi %add3A_139, %add3A_148 : i32
      %lt3A_150 = arith.constant 128 : i32
      %lt3A_151 = arith.cmpi slt, %add3A_149, %lt3A_150 : i32
      %convert_element_type3A_152 = arith.extui %lt3A_151 : i1 to i32
      %cond3A_153 = arith.constant 0 : i32
      %cond3A_154 = arith.cmpi ne, %convert_element_type3A_152, %cond3A_153 : i32
      scf.if %cond3A_154 {
        %add3A_340 = arith.constant 2 : i32
        %add3A_341 = arith.addi %add3A_139, %add3A_340 : i32
        %mul3A_342 = arith.constant 200 : i32
        %mul3A_343 = arith.muli %add3A_341, %mul3A_342 : i32
        %add3A_344 = arith.constant 152 : i32
        %add3A_345 = arith.addi %mul3A_343, %add3A_344 : i32
        %dma_start3A_346 = tpu.memref_slice %arg5[%add3A_345] : memref<25600xi32, #tpu.memory_space<vmem>> -> memref<48xi32, #tpu.memory_space<vmem>>
        %dma_start3A_347 = arith.constant 0 : i32
        %dma_start3A_348 = arith.constant 0 : i32
        %dma_start3A_349 = tpu.memref_slice %arg3[%dma_start3A_347, %dma_start3A_348] : memref<100000x128xf32, #tpu.memory_space<hbm>> -> memref<100000x128xf32, #tpu.memory_space<hbm>>
        tpu.enqueue_indirect_dma source(%dma_start3A_349 : memref<100000x128xf32, #tpu.memory_space<hbm>>) target(%arg10 : memref<48x128xf32, #tpu.memory_space<vmem>>) offsets(%dma_start3A_346 : memref<48xi32, #tpu.memory_space<vmem>>) semaphore(%arg18 : memref<!tpu.dma_semaphore, #tpu.memory_space<semaphore_mem>>)
      } else {
      }
      %scan3A_155 = arith.constant 0 : i32
      %scan3A_156 = arith.constant 24 : i32
      %scan3A_157 = arith.addi %scan3A_155, %scan3A_156 : i32
      %scan3A_158 = arith.constant 1 : i32
      %scan3A_159:8 = scf.for %scan3A_340 = %scan3A_155 to %scan3A_157 step %scan3A_158 iter_args(%scan3A_341 = %scan3A_134#0, %scan3A_342 = %scan3A_134#1, %scan3A_343 = %scan3A_134#2, %scan3A_344 = %scan3A_134#3, %scan3A_345 = %scan3A_134#4, %scan3A_346 = %scan3A_134#5, %scan3A_347 = %scan3A_134#6, %scan3A_348 = %scan3A_134#7) -> (vector<16xf32>, vector<16xf32>, vector<16xf32>, vector<16xf32>, vector<16xf32>, vector<16xf32>, vector<16xf32>, vector<16xf32>)  : i32 {
        %mul3A_349 = arith.constant 2 : i32
        %mul3A_350 = arith.muli %mul3A_349, %scan3A_340 : i32
        %add3A_351 = arith.constant 1 : i32
        %add3A_352 = arith.addi %mul3A_350, %add3A_351 : i32
        %mul3A_353 = arith.constant 2 : i32
        %mul3A_354 = arith.muli %mul3A_353, %scan3A_340 : i32
        %get3A = arith.index_cast %mul3A_354 : i32 to index
        %get3A_355 = arith.constant 0 : index
        %get3A_356 = tpu.vector_load %arg10[%get3A, %get3A_355] {strides = array<i32>} : memref<48x128xf32, #tpu.memory_space<vmem>>, vector<1x16xf32>,
        %get3A_357 = vector.shape_cast %get3A_356 : vector<1x16xf32> to vector<16xf32>
        %add3A_358 = arith.addf %scan3A_341, %get3A_357 : vector<16xf32>
        %get3A_359 = arith.index_cast %mul3A_354 : i32 to index
        %get3A_360 = arith.constant 16 : index
        %get3A_361 = tpu.vector_load %arg10[%get3A_359, %get3A_360] {strides = array<i32>} : memref<48x128xf32, #tpu.memory_space<vmem>>, vector<1x16xf32>,
        %get3A_362 = vector.shape_cast %get3A_361 : vector<1x16xf32> to vector<16xf32>
        %add3A_363 = arith.addf %scan3A_342, %get3A_362 : vector<16xf32>
        %get3A_364 = arith.index_cast %mul3A_354 : i32 to index
        %get3A_365 = arith.constant 32 : index
        %get3A_366 = tpu.vector_load %arg10[%get3A_364, %get3A_365] {strides = array<i32>} : memref<48x128xf32, #tpu.memory_space<vmem>>, vector<1x16xf32>,
        %get3A_367 = vector.shape_cast %get3A_366 : vector<1x16xf32> to vector<16xf32>
        %add3A_368 = arith.addf %scan3A_343, %get3A_367 : vector<16xf32>
        %get3A_369 = arith.index_cast %mul3A_354 : i32 to index
        %get3A_370 = arith.constant 48 : index
        %get3A_371 = tpu.vector_load %arg10[%get3A_369, %get3A_370] {strides = array<i32>} : memref<48x128xf32, #tpu.memory_space<vmem>>, vector<1x16xf32>,
        %get3A_372 = vector.shape_cast %get3A_371 : vector<1x16xf32> to vector<16xf32>
        %add3A_373 = arith.addf %scan3A_344, %get3A_372 : vector<16xf32>
        %get3A_374 = arith.index_cast %mul3A_354 : i32 to index
        %get3A_375 = arith.constant 64 : index
        %get3A_376 = tpu.vector_load %arg10[%get3A_374, %get3A_375] {strides = array<i32>} : memref<48x128xf32, #tpu.memory_space<vmem>>, vector<1x16xf32>,
        %get3A_377 = vector.shape_cast %get3A_376 : vector<1x16xf32> to vector<16xf32>
        %add3A_378 = arith.addf %scan3A_345, %get3A_377 : vector<16xf32>
        %get3A_379 = arith.index_cast %mul3A_354 : i32 to index
        %get3A_380 = arith.constant 80 : index
        %get3A_381 = tpu.vector_load %arg10[%get3A_379, %get3A_380] {strides = array<i32>} : memref<48x128xf32, #tpu.memory_space<vmem>>, vector<1x16xf32>,
        %get3A_382 = vector.shape_cast %get3A_381 : vector<1x16xf32> to vector<16xf32>
        %add3A_383 = arith.addf %scan3A_346, %get3A_382 : vector<16xf32>
        %get3A_384 = arith.index_cast %mul3A_354 : i32 to index
        %get3A_385 = arith.constant 96 : index
        %get3A_386 = tpu.vector_load %arg10[%get3A_384, %get3A_385] {strides = array<i32>} : memref<48x128xf32, #tpu.memory_space<vmem>>, vector<1x16xf32>,
        %get3A_387 = vector.shape_cast %get3A_386 : vector<1x16xf32> to vector<16xf32>
        %add3A_388 = arith.addf %scan3A_347, %get3A_387 : vector<16xf32>
        %get3A_389 = arith.index_cast %mul3A_354 : i32 to index
        %get3A_390 = arith.constant 112 : index
        %get3A_391 = tpu.vector_load %arg10[%get3A_389, %get3A_390] {strides = array<i32>} : memref<48x128xf32, #tpu.memory_space<vmem>>, vector<1x16xf32>,
        %get3A_392 = vector.shape_cast %get3A_391 : vector<1x16xf32> to vector<16xf32>
        %add3A_393 = arith.addf %scan3A_348, %get3A_392 : vector<16xf32>
        %get3A_394 = arith.index_cast %add3A_352 : i32 to index
        %get3A_395 = arith.constant 0 : index
        %get3A_396 = tpu.vector_load %arg10[%get3A_394, %get3A_395] {strides = array<i32>} : memref<48x128xf32, #tpu.memory_space<vmem>>, vector<1x16xf32>,
        %get3A_397 = vector.shape_cast %get3A_396 : vector<1x16xf32> to vector<16xf32>
        %add3A_398 = arith.addf %add3A_358, %get3A_397 : vector<16xf32>
        %get3A_399 = arith.index_cast %add3A_352 : i32 to index
        %get3A_400 = arith.constant 16 : index
        %get3A_401 = tpu.vector_load %arg10[%get3A_399, %get3A_400] {strides = array<i32>} : memref<48x128xf32, #tpu.memory_space<vmem>>, vector<1x16xf32>,
        %get3A_402 = vector.shape_cast %get3A_401 : vector<1x16xf32> to vector<16xf32>
        %add3A_403 = arith.addf %add3A_363, %get3A_402 : vector<16xf32>
        %get3A_404 = arith.index_cast %add3A_352 : i32 to index
        %get3A_405 = arith.constant 32 : index
        %get3A_406 = tpu.vector_load %arg10[%get3A_404, %get3A_405] {strides = array<i32>} : memref<48x128xf32, #tpu.memory_space<vmem>>, vector<1x16xf32>,
        %get3A_407 = vector.shape_cast %get3A_406 : vector<1x16xf32> to vector<16xf32>
        %add3A_408 = arith.addf %add3A_368, %get3A_407 : vector<16xf32>
        %get3A_409 = arith.index_cast %add3A_352 : i32 to index
        %get3A_410 = arith.constant 48 : index
        %get3A_411 = tpu.vector_load %arg10[%get3A_409, %get3A_410] {strides = array<i32>} : memref<48x128xf32, #tpu.memory_space<vmem>>, vector<1x16xf32>,
        %get3A_412 = vector.shape_cast %get3A_411 : vector<1x16xf32> to vector<16xf32>
        %add3A_413 = arith.addf %add3A_373, %get3A_412 : vector<16xf32>
        %get3A_414 = arith.index_cast %add3A_352 : i32 to index
        %get3A_415 = arith.constant 64 : index
        %get3A_416 = tpu.vector_load %arg10[%get3A_414, %get3A_415] {strides = array<i32>} : memref<48x128xf32, #tpu.memory_space<vmem>>, vector<1x16xf32>,
        %get3A_417 = vector.shape_cast %get3A_416 : vector<1x16xf32> to vector<16xf32>
        %add3A_418 = arith.addf %add3A_378, %get3A_417 : vector<16xf32>
        %get3A_419 = arith.index_cast %add3A_352 : i32 to index
        %get3A_420 = arith.constant 80 : index
        %get3A_421 = tpu.vector_load %arg10[%get3A_419, %get3A_420] {strides = array<i32>} : memref<48x128xf32, #tpu.memory_space<vmem>>, vector<1x16xf32>,
        %get3A_422 = vector.shape_cast %get3A_421 : vector<1x16xf32> to vector<16xf32>
        %add3A_423 = arith.addf %add3A_383, %get3A_422 : vector<16xf32>
        %get3A_424 = arith.index_cast %add3A_352 : i32 to index
        %get3A_425 = arith.constant 96 : index
        %get3A_426 = tpu.vector_load %arg10[%get3A_424, %get3A_425] {strides = array<i32>} : memref<48x128xf32, #tpu.memory_space<vmem>>, vector<1x16xf32>,
        %get3A_427 = vector.shape_cast %get3A_426 : vector<1x16xf32> to vector<16xf32>
        %add3A_428 = arith.addf %add3A_388, %get3A_427 : vector<16xf32>
        %get3A_429 = arith.index_cast %add3A_352 : i32 to index
        %get3A_430 = arith.constant 112 : index
        %get3A_431 = tpu.vector_load %arg10[%get3A_429, %get3A_430] {strides = array<i32>} : memref<48x128xf32, #tpu.memory_space<vmem>>, vector<1x16xf32>,
        %get3A_432 = vector.shape_cast %get3A_431 : vector<1x16xf32> to vector<16xf32>
        %add3A_433 = arith.addf %add3A_393, %get3A_432 : vector<16xf32>
        scf.yield %add3A_398, %add3A_403, %add3A_408, %add3A_413, %add3A_418, %add3A_423, %add3A_428, %add3A_433 : vector<16xf32>, vector<16xf32>, vector<16xf32>, vector<16xf32>, vector<16xf32>, vector<16xf32>, vector<16xf32>, vector<16xf32>
      }
      %scan3A_160 = arith.constant 24 : i32
      %swap3A = arith.index_cast %add3A_139 : i32 to index
      %swap3A_161 = arith.constant 0 : index
      %swap3A_162 = tpu.vector_load %arg6[%swap3A, %swap3A_161] {strides = array<i32>} : memref<128x128xf32, #tpu.memory_space<vmem>>, vector<1x16xf32>,
      %swap3A_163 = vector.shape_cast %swap3A_162 : vector<1x16xf32> to vector<16xf32>
      %swap3A_164 = vector.shape_cast %scan3A_159#0 : vector<16xf32> to vector<1x16xf32>
      tpu.vector_store %arg6[%swap3A, %swap3A_161], %swap3A_164 {strides = array<i32>} : memref<128x128xf32, #tpu.memory_space<vmem>>, vector<1x16xf32>,
      %swap3A_165 = arith.index_cast %add3A_139 : i32 to index
      %swap3A_166 = arith.constant 16 : index
      %swap3A_167 = tpu.vector_load %arg6[%swap3A_165, %swap3A_166] {strides = array<i32>} : memref<128x128xf32, #tpu.memory_space<vmem>>, vector<1x16xf32>,
      %swap3A_168 = vector.shape_cast %swap3A_167 : vector<1x16xf32> to vector<16xf32>
      %swap3A_169 = vector.shape_cast %scan3A_159#1 : vector<16xf32> to vector<1x16xf32>
      tpu.vector_store %arg6[%swap3A_165, %swap3A_166], %swap3A_169 {strides = array<i32>} : memref<128x128xf32, #tpu.memory_space<vmem>>, vector<1x16xf32>,
      %swap3A_170 = arith.index_cast %add3A_139 : i32 to index
      %swap3A_171 = arith.constant 32 : index
      %swap3A_172 = tpu.vector_load %arg6[%swap3A_170, %swap3A_171] {strides = array<i32>} : memref<128x128xf32, #tpu.memory_space<vmem>>, vector<1x16xf32>,
      %swap3A_173 = vector.shape_cast %swap3A_172 : vector<1x16xf32> to vector<16xf32>
      %swap3A_174 = vector.shape_cast %scan3A_159#2 : vector<16xf32> to vector<1x16xf32>
      tpu.vector_store %arg6[%swap3A_170, %swap3A_171], %swap3A_174 {strides = array<i32>} : memref<128x128xf32, #tpu.memory_space<vmem>>, vector<1x16xf32>,
      %swap3A_175 = arith.index_cast %add3A_139 : i32 to index
      %swap3A_176 = arith.constant 48 : index
      %swap3A_177 = tpu.vector_load %arg6[%swap3A_175, %swap3A_176] {strides = array<i32>} : memref<128x128xf32, #tpu.memory_space<vmem>>, vector<1x16xf32>,
      %swap3A_178 = vector.shape_cast %swap3A_177 : vector<1x16xf32> to vector<16xf32>
      %swap3A_179 = vector.shape_cast %scan3A_159#3 : vector<16xf32> to vector<1x16xf32>
      tpu.vector_store %arg6[%swap3A_175, %swap3A_176], %swap3A_179 {strides = array<i32>} : memref<128x128xf32, #tpu.memory_space<vmem>>, vector<1x16xf32>,
      %swap3A_180 = arith.index_cast %add3A_139 : i32 to index
      %swap3A_181 = arith.constant 64 : index
      %swap3A_182 = tpu.vector_load %arg6[%swap3A_180, %swap3A_181] {strides = array<i32>} : memref<128x128xf32, #tpu.memory_space<vmem>>, vector<1x16xf32>,
      %swap3A_183 = vector.shape_cast %swap3A_182 : vector<1x16xf32> to vector<16xf32>
      %swap3A_184 = vector.shape_cast %scan3A_159#4 : vector<16xf32> to vector<1x16xf32>
      tpu.vector_store %arg6[%swap3A_180, %swap3A_181], %swap3A_184 {strides = array<i32>} : memref<128x128xf32, #tpu.memory_space<vmem>>, vector<1x16xf32>,
      %swap3A_185 = arith.index_cast %add3A_139 : i32 to index
      %swap3A_186 = arith.constant 80 : index
      %swap3A_187 = tpu.vector_load %arg6[%swap3A_185, %swap3A_186] {strides = array<i32>} : memref<128x128xf32, #tpu.memory_space<vmem>>, vector<1x16xf32>,
      %swap3A_188 = vector.shape_cast %swap3A_187 : vector<1x16xf32> to vector<16xf32>
      %swap3A_189 = vector.shape_cast %scan3A_159#5 : vector<16xf32> to vector<1x16xf32>
      tpu.vector_store %arg6[%swap3A_185, %swap3A_186], %swap3A_189 {strides = array<i32>} : memref<128x128xf32, #tpu.memory_space<vmem>>, vector<1x16xf32>,
      %swap3A_190 = arith.index_cast %add3A_139 : i32 to index
      %swap3A_191 = arith.constant 96 : index
      %swap3A_192 = tpu.vector_load %arg6[%swap3A_190, %swap3A_191] {strides = array<i32>} : memref<128x128xf32, #tpu.memory_space<vmem>>, vector<1x16xf32>,
      %swap3A_193 = vector.shape_cast %swap3A_192 : vector<1x16xf32> to vector<16xf32>
      %swap3A_194 = vector.shape_cast %scan3A_159#6 : vector<16xf32> to vector<1x16xf32>
      tpu.vector_store %arg6[%swap3A_190, %swap3A_191], %swap3A_194 {strides = array<i32>} : memref<128x128xf32, #tpu.memory_space<vmem>>, vector<1x16xf32>,
      %swap3A_195 = arith.index_cast %add3A_139 : i32 to index
      %swap3A_196 = arith.constant 112 : index
      %swap3A_197 = tpu.vector_load %arg6[%swap3A_195, %swap3A_196] {strides = array<i32>} : memref<128x128xf32, #tpu.memory_space<vmem>>, vector<1x16xf32>,
      %swap3A_198 = vector.shape_cast %swap3A_197 : vector<1x16xf32> to vector<16xf32>
      %swap3A_199 = vector.shape_cast %scan3A_159#7 : vector<16xf32> to vector<1x16xf32>
      tpu.vector_store %arg6[%swap3A_195, %swap3A_196], %swap3A_199 {strides = array<i32>} : memref<128x128xf32, #tpu.memory_space<vmem>>, vector<1x16xf32>,
      %mul3A_200 = arith.constant 2 : i32
      %mul3A_201 = arith.muli %mul3A_200, %scan3A_64 : i32
      %add3A_202 = arith.constant 1 : i32
      %add3A_203 = arith.addi %mul3A_201, %add3A_202 : i32
      %mul3A_204 = arith.constant 200 : i32
      %mul3A_205 = arith.muli %add3A_203, %mul3A_204 : i32
      %add3A_206 = arith.constant 0 : i32
      %add3A_207 = arith.addi %mul3A_205, %add3A_206 : i32
      %dma_wait3A_208 = tpu.memref_slice %arg5[%add3A_207] : memref<25600xi32, #tpu.memory_space<vmem>> -> memref<56xi32, #tpu.memory_space<vmem>>
      %dma_wait3A_209 = arith.constant 0 : i32
      %dma_wait3A_210 = arith.constant 0 : i32
      %dma_wait3A_211 = tpu.memref_slice %arg3[%dma_wait3A_209, %dma_wait3A_210] : memref<100000x128xf32, #tpu.memory_space<hbm>> -> memref<100000x128xf32, #tpu.memory_space<hbm>>
      tpu.wait_indirect_dma semaphore(%arg19 : memref<!tpu.dma_semaphore, #tpu.memory_space<semaphore_mem>>) src(%dma_wait3A_211 : memref<100000x128xf32, #tpu.memory_space<hbm>>) dst(%arg11 : memref<56x128xf32, #tpu.memory_space<vmem>>)
      %add3A_212 = arith.constant 2 : i32
      %add3A_213 = arith.addi %add3A_203, %add3A_212 : i32
      %lt3A_214 = arith.constant 128 : i32
      %lt3A_215 = arith.cmpi slt, %add3A_213, %lt3A_214 : i32
      %convert_element_type3A_216 = arith.extui %lt3A_215 : i1 to i32
      %cond3A_217 = arith.constant 0 : i32
      %cond3A_218 = arith.cmpi ne, %convert_element_type3A_216, %cond3A_217 : i32
      scf.if %cond3A_218 {
        %add3A_340 = arith.constant 2 : i32
        %add3A_341 = arith.addi %add3A_203, %add3A_340 : i32
        %mul3A_342 = arith.constant 200 : i32
        %mul3A_343 = arith.muli %add3A_341, %mul3A_342 : i32
        %add3A_344 = arith.constant 0 : i32
        %add3A_345 = arith.addi %mul3A_343, %add3A_344 : i32
        %dma_start3A_346 = tpu.memref_slice %arg5[%add3A_345] : memref<25600xi32, #tpu.memory_space<vmem>> -> memref<56xi32, #tpu.memory_space<vmem>>
        %dma_start3A_347 = arith.constant 0 : i32
        %dma_start3A_348 = arith.constant 0 : i32
        %dma_start3A_349 = tpu.memref_slice %arg3[%dma_start3A_347, %dma_start3A_348] : memref<100000x128xf32, #tpu.memory_space<hbm>> -> memref<100000x128xf32, #tpu.memory_space<hbm>>
        tpu.enqueue_indirect_dma source(%dma_start3A_349 : memref<100000x128xf32, #tpu.memory_space<hbm>>) target(%arg11 : memref<56x128xf32, #tpu.memory_space<vmem>>) offsets(%dma_start3A_346 : memref<56xi32, #tpu.memory_space<vmem>>) semaphore(%arg19 : memref<!tpu.dma_semaphore, #tpu.memory_space<semaphore_mem>>)
      } else {
      }
      %scan3A_219 = arith.constant 0 : i32
      %scan3A_220 = arith.constant 28 : i32
      %scan3A_221 = arith.addi %scan3A_219, %scan3A_220 : i32
      %scan3A_222 = arith.constant 1 : i32
      %scan3A_223:8 = scf.for %scan3A_340 = %scan3A_219 to %scan3A_221 step %scan3A_222 iter_args(%scan3A_341 = %broadcast_in_dim3A_5, %scan3A_342 = %broadcast_in_dim3A_7, %scan3A_343 = %broadcast_in_dim3A_9, %scan3A_344 = %broadcast_in_dim3A_11, %scan3A_345 = %broadcast_in_dim3A_13, %scan3A_346 = %broadcast_in_dim3A_15, %scan3A_347 = %broadcast_in_dim3A_17, %scan3A_348 = %broadcast_in_dim3A_19) -> (vector<16xf32>, vector<16xf32>, vector<16xf32>, vector<16xf32>, vector<16xf32>, vector<16xf32>, vector<16xf32>, vector<16xf32>)  : i32 {
        %mul3A_349 = arith.constant 2 : i32
        %mul3A_350 = arith.muli %mul3A_349, %scan3A_340 : i32
        %add3A_351 = arith.constant 1 : i32
        %add3A_352 = arith.addi %mul3A_350, %add3A_351 : i32
        %mul3A_353 = arith.constant 2 : i32
        %mul3A_354 = arith.muli %mul3A_353, %scan3A_340 : i32
        %get3A = arith.index_cast %mul3A_354 : i32 to index
        %get3A_355 = arith.constant 0 : index
        %get3A_356 = tpu.vector_load %arg11[%get3A, %get3A_355] {strides = array<i32>} : memref<56x128xf32, #tpu.memory_space<vmem>>, vector<1x16xf32>,
        %get3A_357 = vector.shape_cast %get3A_356 : vector<1x16xf32> to vector<16xf32>
        %add3A_358 = arith.addf %scan3A_341, %get3A_357 : vector<16xf32>
        %get3A_359 = arith.index_cast %mul3A_354 : i32 to index
        %get3A_360 = arith.constant 16 : index
        %get3A_361 = tpu.vector_load %arg11[%get3A_359, %get3A_360] {strides = array<i32>} : memref<56x128xf32, #tpu.memory_space<vmem>>, vector<1x16xf32>,
        %get3A_362 = vector.shape_cast %get3A_361 : vector<1x16xf32> to vector<16xf32>
        %add3A_363 = arith.addf %scan3A_342, %get3A_362 : vector<16xf32>
        %get3A_364 = arith.index_cast %mul3A_354 : i32 to index
        %get3A_365 = arith.constant 32 : index
        %get3A_366 = tpu.vector_load %arg11[%get3A_364, %get3A_365] {strides = array<i32>} : memref<56x128xf32, #tpu.memory_space<vmem>>, vector<1x16xf32>,
        %get3A_367 = vector.shape_cast %get3A_366 : vector<1x16xf32> to vector<16xf32>
        %add3A_368 = arith.addf %scan3A_343, %get3A_367 : vector<16xf32>
        %get3A_369 = arith.index_cast %mul3A_354 : i32 to index
        %get3A_370 = arith.constant 48 : index
        %get3A_371 = tpu.vector_load %arg11[%get3A_369, %get3A_370] {strides = array<i32>} : memref<56x128xf32, #tpu.memory_space<vmem>>, vector<1x16xf32>,
        %get3A_372 = vector.shape_cast %get3A_371 : vector<1x16xf32> to vector<16xf32>
        %add3A_373 = arith.addf %scan3A_344, %get3A_372 : vector<16xf32>
        %get3A_374 = arith.index_cast %mul3A_354 : i32 to index
        %get3A_375 = arith.constant 64 : index
        %get3A_376 = tpu.vector_load %arg11[%get3A_374, %get3A_375] {strides = array<i32>} : memref<56x128xf32, #tpu.memory_space<vmem>>, vector<1x16xf32>,
        %get3A_377 = vector.shape_cast %get3A_376 : vector<1x16xf32> to vector<16xf32>
        %add3A_378 = arith.addf %scan3A_345, %get3A_377 : vector<16xf32>
        %get3A_379 = arith.index_cast %mul3A_354 : i32 to index
        %get3A_380 = arith.constant 80 : index
        %get3A_381 = tpu.vector_load %arg11[%get3A_379, %get3A_380] {strides = array<i32>} : memref<56x128xf32, #tpu.memory_space<vmem>>, vector<1x16xf32>,
        %get3A_382 = vector.shape_cast %get3A_381 : vector<1x16xf32> to vector<16xf32>
        %add3A_383 = arith.addf %scan3A_346, %get3A_382 : vector<16xf32>
        %get3A_384 = arith.index_cast %mul3A_354 : i32 to index
        %get3A_385 = arith.constant 96 : index
        %get3A_386 = tpu.vector_load %arg11[%get3A_384, %get3A_385] {strides = array<i32>} : memref<56x128xf32, #tpu.memory_space<vmem>>, vector<1x16xf32>,
        %get3A_387 = vector.shape_cast %get3A_386 : vector<1x16xf32> to vector<16xf32>
        %add3A_388 = arith.addf %scan3A_347, %get3A_387 : vector<16xf32>
        %get3A_389 = arith.index_cast %mul3A_354 : i32 to index
        %get3A_390 = arith.constant 112 : index
        %get3A_391 = tpu.vector_load %arg11[%get3A_389, %get3A_390] {strides = array<i32>} : memref<56x128xf32, #tpu.memory_space<vmem>>, vector<1x16xf32>,
        %get3A_392 = vector.shape_cast %get3A_391 : vector<1x16xf32> to vector<16xf32>
        %add3A_393 = arith.addf %scan3A_348, %get3A_392 : vector<16xf32>
        %get3A_394 = arith.index_cast %add3A_352 : i32 to index
        %get3A_395 = arith.constant 0 : index
        %get3A_396 = tpu.vector_load %arg11[%get3A_394, %get3A_395] {strides = array<i32>} : memref<56x128xf32, #tpu.memory_space<vmem>>, vector<1x16xf32>,
        %get3A_397 = vector.shape_cast %get3A_396 : vector<1x16xf32> to vector<16xf32>
        %add3A_398 = arith.addf %add3A_358, %get3A_397 : vector<16xf32>
        %get3A_399 = arith.index_cast %add3A_352 : i32 to index
        %get3A_400 = arith.constant 16 : index
        %get3A_401 = tpu.vector_load %arg11[%get3A_399, %get3A_400] {strides = array<i32>} : memref<56x128xf32, #tpu.memory_space<vmem>>, vector<1x16xf32>,
        %get3A_402 = vector.shape_cast %get3A_401 : vector<1x16xf32> to vector<16xf32>
        %add3A_403 = arith.addf %add3A_363, %get3A_402 : vector<16xf32>
        %get3A_404 = arith.index_cast %add3A_352 : i32 to index
        %get3A_405 = arith.constant 32 : index
        %get3A_406 = tpu.vector_load %arg11[%get3A_404, %get3A_405] {strides = array<i32>} : memref<56x128xf32, #tpu.memory_space<vmem>>, vector<1x16xf32>,
        %get3A_407 = vector.shape_cast %get3A_406 : vector<1x16xf32> to vector<16xf32>
        %add3A_408 = arith.addf %add3A_368, %get3A_407 : vector<16xf32>
        %get3A_409 = arith.index_cast %add3A_352 : i32 to index
        %get3A_410 = arith.constant 48 : index
        %get3A_411 = tpu.vector_load %arg11[%get3A_409, %get3A_410] {strides = array<i32>} : memref<56x128xf32, #tpu.memory_space<vmem>>, vector<1x16xf32>,
        %get3A_412 = vector.shape_cast %get3A_411 : vector<1x16xf32> to vector<16xf32>
        %add3A_413 = arith.addf %add3A_373, %get3A_412 : vector<16xf32>
        %get3A_414 = arith.index_cast %add3A_352 : i32 to index
        %get3A_415 = arith.constant 64 : index
        %get3A_416 = tpu.vector_load %arg11[%get3A_414, %get3A_415] {strides = array<i32>} : memref<56x128xf32, #tpu.memory_space<vmem>>, vector<1x16xf32>,
        %get3A_417 = vector.shape_cast %get3A_416 : vector<1x16xf32> to vector<16xf32>
        %add3A_418 = arith.addf %add3A_378, %get3A_417 : vector<16xf32>
        %get3A_419 = arith.index_cast %add3A_352 : i32 to index
        %get3A_420 = arith.constant 80 : index
        %get3A_421 = tpu.vector_load %arg11[%get3A_419, %get3A_420] {strides = array<i32>} : memref<56x128xf32, #tpu.memory_space<vmem>>, vector<1x16xf32>,
        %get3A_422 = vector.shape_cast %get3A_421 : vector<1x16xf32> to vector<16xf32>
        %add3A_423 = arith.addf %add3A_383, %get3A_422 : vector<16xf32>
        %get3A_424 = arith.index_cast %add3A_352 : i32 to index
        %get3A_425 = arith.constant 96 : index
        %get3A_426 = tpu.vector_load %arg11[%get3A_424, %get3A_425] {strides = array<i32>} : memref<56x128xf32, #tpu.memory_space<vmem>>, vector<1x16xf32>,
        %get3A_427 = vector.shape_cast %get3A_426 : vector<1x16xf32> to vector<16xf32>
        %add3A_428 = arith.addf %add3A_388, %get3A_427 : vector<16xf32>
        %get3A_429 = arith.index_cast %add3A_352 : i32 to index
        %get3A_430 = arith.constant 112 : index
        %get3A_431 = tpu.vector_load %arg11[%get3A_429, %get3A_430] {strides = array<i32>} : memref<56x128xf32, #tpu.memory_space<vmem>>, vector<1x16xf32>,
        %get3A_432 = vector.shape_cast %get3A_431 : vector<1x16xf32> to vector<16xf32>
        %add3A_433 = arith.addf %add3A_393, %get3A_432 : vector<16xf32>
        scf.yield %add3A_398, %add3A_403, %add3A_408, %add3A_413, %add3A_418, %add3A_423, %add3A_428, %add3A_433 : vector<16xf32>, vector<16xf32>, vector<16xf32>, vector<16xf32>, vector<16xf32>, vector<16xf32>, vector<16xf32>, vector<16xf32>
      }
      %scan3A_224 = arith.constant 28 : i32
      %mul3A_225 = arith.constant 2 : i32
      %mul3A_226 = arith.muli %mul3A_225, %scan3A_64 : i32
      %add3A_227 = arith.constant 1 : i32
      %add3A_228 = arith.addi %mul3A_226, %add3A_227 : i32
      %mul3A_229 = arith.constant 200 : i32
      %mul3A_230 = arith.muli %add3A_228, %mul3A_229 : i32
      %add3A_231 = arith.constant 56 : i32
      %add3A_232 = arith.addi %mul3A_230, %add3A_231 : i32
      %dma_wait3A_233 = tpu.memref_slice %arg5[%add3A_232] : memref<25600xi32, #tpu.memory_space<vmem>> -> memref<48xi32, #tpu.memory_space<vmem>>
      %dma_wait3A_234 = arith.constant 0 : i32
      %dma_wait3A_235 = arith.constant 0 : i32
      %dma_wait3A_236 = tpu.memref_slice %arg3[%dma_wait3A_234, %dma_wait3A_235] : memref<100000x128xf32, #tpu.memory_space<hbm>> -> memref<100000x128xf32, #tpu.memory_space<hbm>>
      tpu.wait_indirect_dma semaphore(%arg20 : memref<!tpu.dma_semaphore, #tpu.memory_space<semaphore_mem>>) src(%dma_wait3A_236 : memref<100000x128xf32, #tpu.memory_space<hbm>>) dst(%arg12 : memref<48x128xf32, #tpu.memory_space<vmem>>)
      %add3A_237 = arith.constant 2 : i32
      %add3A_238 = arith.addi %add3A_228, %add3A_237 : i32
      %lt3A_239 = arith.constant 128 : i32
      %lt3A_240 = arith.cmpi slt, %add3A_238, %lt3A_239 : i32
      %convert_element_type3A_241 = arith.extui %lt3A_240 : i1 to i32
      %cond3A_242 = arith.constant 0 : i32
      %cond3A_243 = arith.cmpi ne, %convert_element_type3A_241, %cond3A_242 : i32
      scf.if %cond3A_243 {
        %add3A_340 = arith.constant 2 : i32
        %add3A_341 = arith.addi %add3A_228, %add3A_340 : i32
        %mul3A_342 = arith.constant 200 : i32
        %mul3A_343 = arith.muli %add3A_341, %mul3A_342 : i32
        %add3A_344 = arith.constant 56 : i32
        %add3A_345 = arith.addi %mul3A_343, %add3A_344 : i32
        %dma_start3A_346 = tpu.memref_slice %arg5[%add3A_345] : memref<25600xi32, #tpu.memory_space<vmem>> -> memref<48xi32, #tpu.memory_space<vmem>>
        %dma_start3A_347 = arith.constant 0 : i32
        %dma_start3A_348 = arith.constant 0 : i32
        %dma_start3A_349 = tpu.memref_slice %arg3[%dma_start3A_347, %dma_start3A_348] : memref<100000x128xf32, #tpu.memory_space<hbm>> -> memref<100000x128xf32, #tpu.memory_space<hbm>>
        tpu.enqueue_indirect_dma source(%dma_start3A_349 : memref<100000x128xf32, #tpu.memory_space<hbm>>) target(%arg12 : memref<48x128xf32, #tpu.memory_space<vmem>>) offsets(%dma_start3A_346 : memref<48xi32, #tpu.memory_space<vmem>>) semaphore(%arg20 : memref<!tpu.dma_semaphore, #tpu.memory_space<semaphore_mem>>)
      } else {
      }
      %scan3A_244 = arith.constant 0 : i32
      %scan3A_245 = arith.constant 24 : i32
      %scan3A_246 = arith.addi %scan3A_244, %scan3A_245 : i32
      %scan3A_247 = arith.constant 1 : i32
      %scan3A_248:8 = scf.for %scan3A_340 = %scan3A_244 to %scan3A_246 step %scan3A_247 iter_args(%scan3A_341 = %scan3A_223#0, %scan3A_342 = %scan3A_223#1, %scan3A_343 = %scan3A_223#2, %scan3A_344 = %scan3A_223#3, %scan3A_345 = %scan3A_223#4, %scan3A_346 = %scan3A_223#5, %scan3A_347 = %scan3A_223#6, %scan3A_348 = %scan3A_223#7) -> (vector<16xf32>, vector<16xf32>, vector<16xf32>, vector<16xf32>, vector<16xf32>, vector<16xf32>, vector<16xf32>, vector<16xf32>)  : i32 {
        %mul3A_349 = arith.constant 2 : i32
        %mul3A_350 = arith.muli %mul3A_349, %scan3A_340 : i32
        %add3A_351 = arith.constant 1 : i32
        %add3A_352 = arith.addi %mul3A_350, %add3A_351 : i32
        %mul3A_353 = arith.constant 2 : i32
        %mul3A_354 = arith.muli %mul3A_353, %scan3A_340 : i32
        %get3A = arith.index_cast %mul3A_354 : i32 to index
        %get3A_355 = arith.constant 0 : index
        %get3A_356 = tpu.vector_load %arg12[%get3A, %get3A_355] {strides = array<i32>} : memref<48x128xf32, #tpu.memory_space<vmem>>, vector<1x16xf32>,
        %get3A_357 = vector.shape_cast %get3A_356 : vector<1x16xf32> to vector<16xf32>
        %add3A_358 = arith.addf %scan3A_341, %get3A_357 : vector<16xf32>
        %get3A_359 = arith.index_cast %mul3A_354 : i32 to index
        %get3A_360 = arith.constant 16 : index
        %get3A_361 = tpu.vector_load %arg12[%get3A_359, %get3A_360] {strides = array<i32>} : memref<48x128xf32, #tpu.memory_space<vmem>>, vector<1x16xf32>,
        %get3A_362 = vector.shape_cast %get3A_361 : vector<1x16xf32> to vector<16xf32>
        %add3A_363 = arith.addf %scan3A_342, %get3A_362 : vector<16xf32>
        %get3A_364 = arith.index_cast %mul3A_354 : i32 to index
        %get3A_365 = arith.constant 32 : index
        %get3A_366 = tpu.vector_load %arg12[%get3A_364, %get3A_365] {strides = array<i32>} : memref<48x128xf32, #tpu.memory_space<vmem>>, vector<1x16xf32>,
        %get3A_367 = vector.shape_cast %get3A_366 : vector<1x16xf32> to vector<16xf32>
        %add3A_368 = arith.addf %scan3A_343, %get3A_367 : vector<16xf32>
        %get3A_369 = arith.index_cast %mul3A_354 : i32 to index
        %get3A_370 = arith.constant 48 : index
        %get3A_371 = tpu.vector_load %arg12[%get3A_369, %get3A_370] {strides = array<i32>} : memref<48x128xf32, #tpu.memory_space<vmem>>, vector<1x16xf32>,
        %get3A_372 = vector.shape_cast %get3A_371 : vector<1x16xf32> to vector<16xf32>
        %add3A_373 = arith.addf %scan3A_344, %get3A_372 : vector<16xf32>
        %get3A_374 = arith.index_cast %mul3A_354 : i32 to index
        %get3A_375 = arith.constant 64 : index
        %get3A_376 = tpu.vector_load %arg12[%get3A_374, %get3A_375] {strides = array<i32>} : memref<48x128xf32, #tpu.memory_space<vmem>>, vector<1x16xf32>,
        %get3A_377 = vector.shape_cast %get3A_376 : vector<1x16xf32> to vector<16xf32>
        %add3A_378 = arith.addf %scan3A_345, %get3A_377 : vector<16xf32>
        %get3A_379 = arith.index_cast %mul3A_354 : i32 to index
        %get3A_380 = arith.constant 80 : index
        %get3A_381 = tpu.vector_load %arg12[%get3A_379, %get3A_380] {strides = array<i32>} : memref<48x128xf32, #tpu.memory_space<vmem>>, vector<1x16xf32>,
        %get3A_382 = vector.shape_cast %get3A_381 : vector<1x16xf32> to vector<16xf32>
        %add3A_383 = arith.addf %scan3A_346, %get3A_382 : vector<16xf32>
        %get3A_384 = arith.index_cast %mul3A_354 : i32 to index
        %get3A_385 = arith.constant 96 : index
        %get3A_386 = tpu.vector_load %arg12[%get3A_384, %get3A_385] {strides = array<i32>} : memref<48x128xf32, #tpu.memory_space<vmem>>, vector<1x16xf32>,
        %get3A_387 = vector.shape_cast %get3A_386 : vector<1x16xf32> to vector<16xf32>
        %add3A_388 = arith.addf %scan3A_347, %get3A_387 : vector<16xf32>
        %get3A_389 = arith.index_cast %mul3A_354 : i32 to index
        %get3A_390 = arith.constant 112 : index
        %get3A_391 = tpu.vector_load %arg12[%get3A_389, %get3A_390] {strides = array<i32>} : memref<48x128xf32, #tpu.memory_space<vmem>>, vector<1x16xf32>,
        %get3A_392 = vector.shape_cast %get3A_391 : vector<1x16xf32> to vector<16xf32>
        %add3A_393 = arith.addf %scan3A_348, %get3A_392 : vector<16xf32>
        %get3A_394 = arith.index_cast %add3A_352 : i32 to index
        %get3A_395 = arith.constant 0 : index
        %get3A_396 = tpu.vector_load %arg12[%get3A_394, %get3A_395] {strides = array<i32>} : memref<48x128xf32, #tpu.memory_space<vmem>>, vector<1x16xf32>,
        %get3A_397 = vector.shape_cast %get3A_396 : vector<1x16xf32> to vector<16xf32>
        %add3A_398 = arith.addf %add3A_358, %get3A_397 : vector<16xf32>
        %get3A_399 = arith.index_cast %add3A_352 : i32 to index
        %get3A_400 = arith.constant 16 : index
        %get3A_401 = tpu.vector_load %arg12[%get3A_399, %get3A_400] {strides = array<i32>} : memref<48x128xf32, #tpu.memory_space<vmem>>, vector<1x16xf32>,
        %get3A_402 = vector.shape_cast %get3A_401 : vector<1x16xf32> to vector<16xf32>
        %add3A_403 = arith.addf %add3A_363, %get3A_402 : vector<16xf32>
        %get3A_404 = arith.index_cast %add3A_352 : i32 to index
        %get3A_405 = arith.constant 32 : index
        %get3A_406 = tpu.vector_load %arg12[%get3A_404, %get3A_405] {strides = array<i32>} : memref<48x128xf32, #tpu.memory_space<vmem>>, vector<1x16xf32>,
        %get3A_407 = vector.shape_cast %get3A_406 : vector<1x16xf32> to vector<16xf32>
        %add3A_408 = arith.addf %add3A_368, %get3A_407 : vector<16xf32>
        %get3A_409 = arith.index_cast %add3A_352 : i32 to index
        %get3A_410 = arith.constant 48 : index
        %get3A_411 = tpu.vector_load %arg12[%get3A_409, %get3A_410] {strides = array<i32>} : memref<48x128xf32, #tpu.memory_space<vmem>>, vector<1x16xf32>,
        %get3A_412 = vector.shape_cast %get3A_411 : vector<1x16xf32> to vector<16xf32>
        %add3A_413 = arith.addf %add3A_373, %get3A_412 : vector<16xf32>
        %get3A_414 = arith.index_cast %add3A_352 : i32 to index
        %get3A_415 = arith.constant 64 : index
        %get3A_416 = tpu.vector_load %arg12[%get3A_414, %get3A_415] {strides = array<i32>} : memref<48x128xf32, #tpu.memory_space<vmem>>, vector<1x16xf32>,
        %get3A_417 = vector.shape_cast %get3A_416 : vector<1x16xf32> to vector<16xf32>
        %add3A_418 = arith.addf %add3A_378, %get3A_417 : vector<16xf32>
        %get3A_419 = arith.index_cast %add3A_352 : i32 to index
        %get3A_420 = arith.constant 80 : index
        %get3A_421 = tpu.vector_load %arg12[%get3A_419, %get3A_420] {strides = array<i32>} : memref<48x128xf32, #tpu.memory_space<vmem>>, vector<1x16xf32>,
        %get3A_422 = vector.shape_cast %get3A_421 : vector<1x16xf32> to vector<16xf32>
        %add3A_423 = arith.addf %add3A_383, %get3A_422 : vector<16xf32>
        %get3A_424 = arith.index_cast %add3A_352 : i32 to index
        %get3A_425 = arith.constant 96 : index
        %get3A_426 = tpu.vector_load %arg12[%get3A_424, %get3A_425] {strides = array<i32>} : memref<48x128xf32, #tpu.memory_space<vmem>>, vector<1x16xf32>,
        %get3A_427 = vector.shape_cast %get3A_426 : vector<1x16xf32> to vector<16xf32>
        %add3A_428 = arith.addf %add3A_388, %get3A_427 : vector<16xf32>
        %get3A_429 = arith.index_cast %add3A_352 : i32 to index
        %get3A_430 = arith.constant 112 : index
        %get3A_431 = tpu.vector_load %arg12[%get3A_429, %get3A_430] {strides = array<i32>} : memref<48x128xf32, #tpu.memory_space<vmem>>, vector<1x16xf32>,
        %get3A_432 = vector.shape_cast %get3A_431 : vector<1x16xf32> to vector<16xf32>
        %add3A_433 = arith.addf %add3A_393, %get3A_432 : vector<16xf32>
        scf.yield %add3A_398, %add3A_403, %add3A_408, %add3A_413, %add3A_418, %add3A_423, %add3A_428, %add3A_433 : vector<16xf32>, vector<16xf32>, vector<16xf32>, vector<16xf32>, vector<16xf32>, vector<16xf32>, vector<16xf32>, vector<16xf32>
      }
      %scan3A_249 = arith.constant 24 : i32
      %mul3A_250 = arith.constant 2 : i32
      %mul3A_251 = arith.muli %mul3A_250, %scan3A_64 : i32
      %add3A_252 = arith.constant 1 : i32
      %add3A_253 = arith.addi %mul3A_251, %add3A_252 : i32
      %mul3A_254 = arith.constant 200 : i32
      %mul3A_255 = arith.muli %add3A_253, %mul3A_254 : i32
      %add3A_256 = arith.constant 104 : i32
      %add3A_257 = arith.addi %mul3A_255, %add3A_256 : i32
      %dma_wait3A_258 = tpu.memref_slice %arg5[%add3A_257] : memref<25600xi32, #tpu.memory_space<vmem>> -> memref<48xi32, #tpu.memory_space<vmem>>
      %dma_wait3A_259 = arith.constant 0 : i32
      %dma_wait3A_260 = arith.constant 0 : i32
      %dma_wait3A_261 = tpu.memref_slice %arg3[%dma_wait3A_259, %dma_wait3A_260] : memref<100000x128xf32, #tpu.memory_space<hbm>> -> memref<100000x128xf32, #tpu.memory_space<hbm>>
      tpu.wait_indirect_dma semaphore(%arg21 : memref<!tpu.dma_semaphore, #tpu.memory_space<semaphore_mem>>) src(%dma_wait3A_261 : memref<100000x128xf32, #tpu.memory_space<hbm>>) dst(%arg13 : memref<48x128xf32, #tpu.memory_space<vmem>>)
      %add3A_262 = arith.constant 2 : i32
      %add3A_263 = arith.addi %add3A_253, %add3A_262 : i32
      %lt3A_264 = arith.constant 128 : i32
      %lt3A_265 = arith.cmpi slt, %add3A_263, %lt3A_264 : i32
      %convert_element_type3A_266 = arith.extui %lt3A_265 : i1 to i32
      %cond3A_267 = arith.constant 0 : i32
      %cond3A_268 = arith.cmpi ne, %convert_element_type3A_266, %cond3A_267 : i32
      scf.if %cond3A_268 {
        %add3A_340 = arith.constant 2 : i32
        %add3A_341 = arith.addi %add3A_253, %add3A_340 : i32
        %mul3A_342 = arith.constant 200 : i32
        %mul3A_343 = arith.muli %add3A_341, %mul3A_342 : i32
        %add3A_344 = arith.constant 104 : i32
        %add3A_345 = arith.addi %mul3A_343, %add3A_344 : i32
        %dma_start3A_346 = tpu.memref_slice %arg5[%add3A_345] : memref<25600xi32, #tpu.memory_space<vmem>> -> memref<48xi32, #tpu.memory_space<vmem>>
        %dma_start3A_347 = arith.constant 0 : i32
        %dma_start3A_348 = arith.constant 0 : i32
        %dma_start3A_349 = tpu.memref_slice %arg3[%dma_start3A_347, %dma_start3A_348] : memref<100000x128xf32, #tpu.memory_space<hbm>> -> memref<100000x128xf32, #tpu.memory_space<hbm>>
        tpu.enqueue_indirect_dma source(%dma_start3A_349 : memref<100000x128xf32, #tpu.memory_space<hbm>>) target(%arg13 : memref<48x128xf32, #tpu.memory_space<vmem>>) offsets(%dma_start3A_346 : memref<48xi32, #tpu.memory_space<vmem>>) semaphore(%arg21 : memref<!tpu.dma_semaphore, #tpu.memory_space<semaphore_mem>>)
      } else {
      }
      %scan3A_269 = arith.constant 0 : i32
      %scan3A_270 = arith.constant 24 : i32
      %scan3A_271 = arith.addi %scan3A_269, %scan3A_270 : i32
      %scan3A_272 = arith.constant 1 : i32
      %scan3A_273:8 = scf.for %scan3A_340 = %scan3A_269 to %scan3A_271 step %scan3A_272 iter_args(%scan3A_341 = %scan3A_248#0, %scan3A_342 = %scan3A_248#1, %scan3A_343 = %scan3A_248#2, %scan3A_344 = %scan3A_248#3, %scan3A_345 = %scan3A_248#4, %scan3A_346 = %scan3A_248#5, %scan3A_347 = %scan3A_248#6, %scan3A_348 = %scan3A_248#7) -> (vector<16xf32>, vector<16xf32>, vector<16xf32>, vector<16xf32>, vector<16xf32>, vector<16xf32>, vector<16xf32>, vector<16xf32>)  : i32 {
        %mul3A_349 = arith.constant 2 : i32
        %mul3A_350 = arith.muli %mul3A_349, %scan3A_340 : i32
        %add3A_351 = arith.constant 1 : i32
        %add3A_352 = arith.addi %mul3A_350, %add3A_351 : i32
        %mul3A_353 = arith.constant 2 : i32
        %mul3A_354 = arith.muli %mul3A_353, %scan3A_340 : i32
        %get3A = arith.index_cast %mul3A_354 : i32 to index
        %get3A_355 = arith.constant 0 : index
        %get3A_356 = tpu.vector_load %arg13[%get3A, %get3A_355] {strides = array<i32>} : memref<48x128xf32, #tpu.memory_space<vmem>>, vector<1x16xf32>,
        %get3A_357 = vector.shape_cast %get3A_356 : vector<1x16xf32> to vector<16xf32>
        %add3A_358 = arith.addf %scan3A_341, %get3A_357 : vector<16xf32>
        %get3A_359 = arith.index_cast %mul3A_354 : i32 to index
        %get3A_360 = arith.constant 16 : index
        %get3A_361 = tpu.vector_load %arg13[%get3A_359, %get3A_360] {strides = array<i32>} : memref<48x128xf32, #tpu.memory_space<vmem>>, vector<1x16xf32>,
        %get3A_362 = vector.shape_cast %get3A_361 : vector<1x16xf32> to vector<16xf32>
        %add3A_363 = arith.addf %scan3A_342, %get3A_362 : vector<16xf32>
        %get3A_364 = arith.index_cast %mul3A_354 : i32 to index
        %get3A_365 = arith.constant 32 : index
        %get3A_366 = tpu.vector_load %arg13[%get3A_364, %get3A_365] {strides = array<i32>} : memref<48x128xf32, #tpu.memory_space<vmem>>, vector<1x16xf32>,
        %get3A_367 = vector.shape_cast %get3A_366 : vector<1x16xf32> to vector<16xf32>
        %add3A_368 = arith.addf %scan3A_343, %get3A_367 : vector<16xf32>
        %get3A_369 = arith.index_cast %mul3A_354 : i32 to index
        %get3A_370 = arith.constant 48 : index
        %get3A_371 = tpu.vector_load %arg13[%get3A_369, %get3A_370] {strides = array<i32>} : memref<48x128xf32, #tpu.memory_space<vmem>>, vector<1x16xf32>,
        %get3A_372 = vector.shape_cast %get3A_371 : vector<1x16xf32> to vector<16xf32>
        %add3A_373 = arith.addf %scan3A_344, %get3A_372 : vector<16xf32>
        %get3A_374 = arith.index_cast %mul3A_354 : i32 to index
        %get3A_375 = arith.constant 64 : index
        %get3A_376 = tpu.vector_load %arg13[%get3A_374, %get3A_375] {strides = array<i32>} : memref<48x128xf32, #tpu.memory_space<vmem>>, vector<1x16xf32>,
        %get3A_377 = vector.shape_cast %get3A_376 : vector<1x16xf32> to vector<16xf32>
        %add3A_378 = arith.addf %scan3A_345, %get3A_377 : vector<16xf32>
        %get3A_379 = arith.index_cast %mul3A_354 : i32 to index
        %get3A_380 = arith.constant 80 : index
        %get3A_381 = tpu.vector_load %arg13[%get3A_379, %get3A_380] {strides = array<i32>} : memref<48x128xf32, #tpu.memory_space<vmem>>, vector<1x16xf32>,
        %get3A_382 = vector.shape_cast %get3A_381 : vector<1x16xf32> to vector<16xf32>
        %add3A_383 = arith.addf %scan3A_346, %get3A_382 : vector<16xf32>
        %get3A_384 = arith.index_cast %mul3A_354 : i32 to index
        %get3A_385 = arith.constant 96 : index
        %get3A_386 = tpu.vector_load %arg13[%get3A_384, %get3A_385] {strides = array<i32>} : memref<48x128xf32, #tpu.memory_space<vmem>>, vector<1x16xf32>,
        %get3A_387 = vector.shape_cast %get3A_386 : vector<1x16xf32> to vector<16xf32>
        %add3A_388 = arith.addf %scan3A_347, %get3A_387 : vector<16xf32>
        %get3A_389 = arith.index_cast %mul3A_354 : i32 to index
        %get3A_390 = arith.constant 112 : index
        %get3A_391 = tpu.vector_load %arg13[%get3A_389, %get3A_390] {strides = array<i32>} : memref<48x128xf32, #tpu.memory_space<vmem>>, vector<1x16xf32>,
        %get3A_392 = vector.shape_cast %get3A_391 : vector<1x16xf32> to vector<16xf32>
        %add3A_393 = arith.addf %scan3A_348, %get3A_392 : vector<16xf32>
        %get3A_394 = arith.index_cast %add3A_352 : i32 to index
        %get3A_395 = arith.constant 0 : index
        %get3A_396 = tpu.vector_load %arg13[%get3A_394, %get3A_395] {strides = array<i32>} : memref<48x128xf32, #tpu.memory_space<vmem>>, vector<1x16xf32>,
        %get3A_397 = vector.shape_cast %get3A_396 : vector<1x16xf32> to vector<16xf32>
        %add3A_398 = arith.addf %add3A_358, %get3A_397 : vector<16xf32>
        %get3A_399 = arith.index_cast %add3A_352 : i32 to index
        %get3A_400 = arith.constant 16 : index
        %get3A_401 = tpu.vector_load %arg13[%get3A_399, %get3A_400] {strides = array<i32>} : memref<48x128xf32, #tpu.memory_space<vmem>>, vector<1x16xf32>,
        %get3A_402 = vector.shape_cast %get3A_401 : vector<1x16xf32> to vector<16xf32>
        %add3A_403 = arith.addf %add3A_363, %get3A_402 : vector<16xf32>
        %get3A_404 = arith.index_cast %add3A_352 : i32 to index
        %get3A_405 = arith.constant 32 : index
        %get3A_406 = tpu.vector_load %arg13[%get3A_404, %get3A_405] {strides = array<i32>} : memref<48x128xf32, #tpu.memory_space<vmem>>, vector<1x16xf32>,
        %get3A_407 = vector.shape_cast %get3A_406 : vector<1x16xf32> to vector<16xf32>
        %add3A_408 = arith.addf %add3A_368, %get3A_407 : vector<16xf32>
        %get3A_409 = arith.index_cast %add3A_352 : i32 to index
        %get3A_410 = arith.constant 48 : index
        %get3A_411 = tpu.vector_load %arg13[%get3A_409, %get3A_410] {strides = array<i32>} : memref<48x128xf32, #tpu.memory_space<vmem>>, vector<1x16xf32>,
        %get3A_412 = vector.shape_cast %get3A_411 : vector<1x16xf32> to vector<16xf32>
        %add3A_413 = arith.addf %add3A_373, %get3A_412 : vector<16xf32>
        %get3A_414 = arith.index_cast %add3A_352 : i32 to index
        %get3A_415 = arith.constant 64 : index
        %get3A_416 = tpu.vector_load %arg13[%get3A_414, %get3A_415] {strides = array<i32>} : memref<48x128xf32, #tpu.memory_space<vmem>>, vector<1x16xf32>,
        %get3A_417 = vector.shape_cast %get3A_416 : vector<1x16xf32> to vector<16xf32>
        %add3A_418 = arith.addf %add3A_378, %get3A_417 : vector<16xf32>
        %get3A_419 = arith.index_cast %add3A_352 : i32 to index
        %get3A_420 = arith.constant 80 : index
        %get3A_421 = tpu.vector_load %arg13[%get3A_419, %get3A_420] {strides = array<i32>} : memref<48x128xf32, #tpu.memory_space<vmem>>, vector<1x16xf32>,
        %get3A_422 = vector.shape_cast %get3A_421 : vector<1x16xf32> to vector<16xf32>
        %add3A_423 = arith.addf %add3A_383, %get3A_422 : vector<16xf32>
        %get3A_424 = arith.index_cast %add3A_352 : i32 to index
        %get3A_425 = arith.constant 96 : index
        %get3A_426 = tpu.vector_load %arg13[%get3A_424, %get3A_425] {strides = array<i32>} : memref<48x128xf32, #tpu.memory_space<vmem>>, vector<1x16xf32>,
        %get3A_427 = vector.shape_cast %get3A_426 : vector<1x16xf32> to vector<16xf32>
        %add3A_428 = arith.addf %add3A_388, %get3A_427 : vector<16xf32>
        %get3A_429 = arith.index_cast %add3A_352 : i32 to index
        %get3A_430 = arith.constant 112 : index
        %get3A_431 = tpu.vector_load %arg13[%get3A_429, %get3A_430] {strides = array<i32>} : memref<48x128xf32, #tpu.memory_space<vmem>>, vector<1x16xf32>,
        %get3A_432 = vector.shape_cast %get3A_431 : vector<1x16xf32> to vector<16xf32>
        %add3A_433 = arith.addf %add3A_393, %get3A_432 : vector<16xf32>
        scf.yield %add3A_398, %add3A_403, %add3A_408, %add3A_413, %add3A_418, %add3A_423, %add3A_428, %add3A_433 : vector<16xf32>, vector<16xf32>, vector<16xf32>, vector<16xf32>, vector<16xf32>, vector<16xf32>, vector<16xf32>, vector<16xf32>
      }
      %scan3A_274 = arith.constant 24 : i32
      %mul3A_275 = arith.constant 2 : i32
      %mul3A_276 = arith.muli %mul3A_275, %scan3A_64 : i32
      %add3A_277 = arith.constant 1 : i32
      %add3A_278 = arith.addi %mul3A_276, %add3A_277 : i32
      %mul3A_279 = arith.constant 200 : i32
      %mul3A_280 = arith.muli %add3A_278, %mul3A_279 : i32
      %add3A_281 = arith.constant 152 : i32
      %add3A_282 = arith.addi %mul3A_280, %add3A_281 : i32
      %dma_wait3A_283 = tpu.memref_slice %arg5[%add3A_282] : memref<25600xi32, #tpu.memory_space<vmem>> -> memref<48xi32, #tpu.memory_space<vmem>>
      %dma_wait3A_284 = arith.constant 0 : i32
      %dma_wait3A_285 = arith.constant 0 : i32
      %dma_wait3A_286 = tpu.memref_slice %arg3[%dma_wait3A_284, %dma_wait3A_285] : memref<100000x128xf32, #tpu.memory_space<hbm>> -> memref<100000x128xf32, #tpu.memory_space<hbm>>
      tpu.wait_indirect_dma semaphore(%arg22 : memref<!tpu.dma_semaphore, #tpu.memory_space<semaphore_mem>>) src(%dma_wait3A_286 : memref<100000x128xf32, #tpu.memory_space<hbm>>) dst(%arg14 : memref<48x128xf32, #tpu.memory_space<vmem>>)
      %add3A_287 = arith.constant 2 : i32
      %add3A_288 = arith.addi %add3A_278, %add3A_287 : i32
      %lt3A_289 = arith.constant 128 : i32
      %lt3A_290 = arith.cmpi slt, %add3A_288, %lt3A_289 : i32
      %convert_element_type3A_291 = arith.extui %lt3A_290 : i1 to i32
      %cond3A_292 = arith.constant 0 : i32
      %cond3A_293 = arith.cmpi ne, %convert_element_type3A_291, %cond3A_292 : i32
      scf.if %cond3A_293 {
        %add3A_340 = arith.constant 2 : i32
        %add3A_341 = arith.addi %add3A_278, %add3A_340 : i32
        %mul3A_342 = arith.constant 200 : i32
        %mul3A_343 = arith.muli %add3A_341, %mul3A_342 : i32
        %add3A_344 = arith.constant 152 : i32
        %add3A_345 = arith.addi %mul3A_343, %add3A_344 : i32
        %dma_start3A_346 = tpu.memref_slice %arg5[%add3A_345] : memref<25600xi32, #tpu.memory_space<vmem>> -> memref<48xi32, #tpu.memory_space<vmem>>
        %dma_start3A_347 = arith.constant 0 : i32
        %dma_start3A_348 = arith.constant 0 : i32
        %dma_start3A_349 = tpu.memref_slice %arg3[%dma_start3A_347, %dma_start3A_348] : memref<100000x128xf32, #tpu.memory_space<hbm>> -> memref<100000x128xf32, #tpu.memory_space<hbm>>
        tpu.enqueue_indirect_dma source(%dma_start3A_349 : memref<100000x128xf32, #tpu.memory_space<hbm>>) target(%arg14 : memref<48x128xf32, #tpu.memory_space<vmem>>) offsets(%dma_start3A_346 : memref<48xi32, #tpu.memory_space<vmem>>) semaphore(%arg22 : memref<!tpu.dma_semaphore, #tpu.memory_space<semaphore_mem>>)
      } else {
      }
      %scan3A_294 = arith.constant 0 : i32
      %scan3A_295 = arith.constant 24 : i32
      %scan3A_296 = arith.addi %scan3A_294, %scan3A_295 : i32
      %scan3A_297 = arith.constant 1 : i32
      %scan3A_298:8 = scf.for %scan3A_340 = %scan3A_294 to %scan3A_296 step %scan3A_297 iter_args(%scan3A_341 = %scan3A_273#0, %scan3A_342 = %scan3A_273#1, %scan3A_343 = %scan3A_273#2, %scan3A_344 = %scan3A_273#3, %scan3A_345 = %scan3A_273#4, %scan3A_346 = %scan3A_273#5, %scan3A_347 = %scan3A_273#6, %scan3A_348 = %scan3A_273#7) -> (vector<16xf32>, vector<16xf32>, vector<16xf32>, vector<16xf32>, vector<16xf32>, vector<16xf32>, vector<16xf32>, vector<16xf32>)  : i32 {
        %mul3A_349 = arith.constant 2 : i32
        %mul3A_350 = arith.muli %mul3A_349, %scan3A_340 : i32
        %add3A_351 = arith.constant 1 : i32
        %add3A_352 = arith.addi %mul3A_350, %add3A_351 : i32
        %mul3A_353 = arith.constant 2 : i32
        %mul3A_354 = arith.muli %mul3A_353, %scan3A_340 : i32
        %get3A = arith.index_cast %mul3A_354 : i32 to index
        %get3A_355 = arith.constant 0 : index
        %get3A_356 = tpu.vector_load %arg14[%get3A, %get3A_355] {strides = array<i32>} : memref<48x128xf32, #tpu.memory_space<vmem>>, vector<1x16xf32>,
        %get3A_357 = vector.shape_cast %get3A_356 : vector<1x16xf32> to vector<16xf32>
        %add3A_358 = arith.addf %scan3A_341, %get3A_357 : vector<16xf32>
        %get3A_359 = arith.index_cast %mul3A_354 : i32 to index
        %get3A_360 = arith.constant 16 : index
        %get3A_361 = tpu.vector_load %arg14[%get3A_359, %get3A_360] {strides = array<i32>} : memref<48x128xf32, #tpu.memory_space<vmem>>, vector<1x16xf32>,
        %get3A_362 = vector.shape_cast %get3A_361 : vector<1x16xf32> to vector<16xf32>
        %add3A_363 = arith.addf %scan3A_342, %get3A_362 : vector<16xf32>
        %get3A_364 = arith.index_cast %mul3A_354 : i32 to index
        %get3A_365 = arith.constant 32 : index
        %get3A_366 = tpu.vector_load %arg14[%get3A_364, %get3A_365] {strides = array<i32>} : memref<48x128xf32, #tpu.memory_space<vmem>>, vector<1x16xf32>,
        %get3A_367 = vector.shape_cast %get3A_366 : vector<1x16xf32> to vector<16xf32>
        %add3A_368 = arith.addf %scan3A_343, %get3A_367 : vector<16xf32>
        %get3A_369 = arith.index_cast %mul3A_354 : i32 to index
        %get3A_370 = arith.constant 48 : index
        %get3A_371 = tpu.vector_load %arg14[%get3A_369, %get3A_370] {strides = array<i32>} : memref<48x128xf32, #tpu.memory_space<vmem>>, vector<1x16xf32>,
        %get3A_372 = vector.shape_cast %get3A_371 : vector<1x16xf32> to vector<16xf32>
        %add3A_373 = arith.addf %scan3A_344, %get3A_372 : vector<16xf32>
        %get3A_374 = arith.index_cast %mul3A_354 : i32 to index
        %get3A_375 = arith.constant 64 : index
        %get3A_376 = tpu.vector_load %arg14[%get3A_374, %get3A_375] {strides = array<i32>} : memref<48x128xf32, #tpu.memory_space<vmem>>, vector<1x16xf32>,
        %get3A_377 = vector.shape_cast %get3A_376 : vector<1x16xf32> to vector<16xf32>
        %add3A_378 = arith.addf %scan3A_345, %get3A_377 : vector<16xf32>
        %get3A_379 = arith.index_cast %mul3A_354 : i32 to index
        %get3A_380 = arith.constant 80 : index
        %get3A_381 = tpu.vector_load %arg14[%get3A_379, %get3A_380] {strides = array<i32>} : memref<48x128xf32, #tpu.memory_space<vmem>>, vector<1x16xf32>,
        %get3A_382 = vector.shape_cast %get3A_381 : vector<1x16xf32> to vector<16xf32>
        %add3A_383 = arith.addf %scan3A_346, %get3A_382 : vector<16xf32>
        %get3A_384 = arith.index_cast %mul3A_354 : i32 to index
        %get3A_385 = arith.constant 96 : index
        %get3A_386 = tpu.vector_load %arg14[%get3A_384, %get3A_385] {strides = array<i32>} : memref<48x128xf32, #tpu.memory_space<vmem>>, vector<1x16xf32>,
        %get3A_387 = vector.shape_cast %get3A_386 : vector<1x16xf32> to vector<16xf32>
        %add3A_388 = arith.addf %scan3A_347, %get3A_387 : vector<16xf32>
        %get3A_389 = arith.index_cast %mul3A_354 : i32 to index
        %get3A_390 = arith.constant 112 : index
        %get3A_391 = tpu.vector_load %arg14[%get3A_389, %get3A_390] {strides = array<i32>} : memref<48x128xf32, #tpu.memory_space<vmem>>, vector<1x16xf32>,
        %get3A_392 = vector.shape_cast %get3A_391 : vector<1x16xf32> to vector<16xf32>
        %add3A_393 = arith.addf %scan3A_348, %get3A_392 : vector<16xf32>
        %get3A_394 = arith.index_cast %add3A_352 : i32 to index
        %get3A_395 = arith.constant 0 : index
        %get3A_396 = tpu.vector_load %arg14[%get3A_394, %get3A_395] {strides = array<i32>} : memref<48x128xf32, #tpu.memory_space<vmem>>, vector<1x16xf32>,
        %get3A_397 = vector.shape_cast %get3A_396 : vector<1x16xf32> to vector<16xf32>
        %add3A_398 = arith.addf %add3A_358, %get3A_397 : vector<16xf32>
        %get3A_399 = arith.index_cast %add3A_352 : i32 to index
        %get3A_400 = arith.constant 16 : index
        %get3A_401 = tpu.vector_load %arg14[%get3A_399, %get3A_400] {strides = array<i32>} : memref<48x128xf32, #tpu.memory_space<vmem>>, vector<1x16xf32>,
        %get3A_402 = vector.shape_cast %get3A_401 : vector<1x16xf32> to vector<16xf32>
        %add3A_403 = arith.addf %add3A_363, %get3A_402 : vector<16xf32>
        %get3A_404 = arith.index_cast %add3A_352 : i32 to index
        %get3A_405 = arith.constant 32 : index
        %get3A_406 = tpu.vector_load %arg14[%get3A_404, %get3A_405] {strides = array<i32>} : memref<48x128xf32, #tpu.memory_space<vmem>>, vector<1x16xf32>,
        %get3A_407 = vector.shape_cast %get3A_406 : vector<1x16xf32> to vector<16xf32>
        %add3A_408 = arith.addf %add3A_368, %get3A_407 : vector<16xf32>
        %get3A_409 = arith.index_cast %add3A_352 : i32 to index
        %get3A_410 = arith.constant 48 : index
        %get3A_411 = tpu.vector_load %arg14[%get3A_409, %get3A_410] {strides = array<i32>} : memref<48x128xf32, #tpu.memory_space<vmem>>, vector<1x16xf32>,
        %get3A_412 = vector.shape_cast %get3A_411 : vector<1x16xf32> to vector<16xf32>
        %add3A_413 = arith.addf %add3A_373, %get3A_412 : vector<16xf32>
        %get3A_414 = arith.index_cast %add3A_352 : i32 to index
        %get3A_415 = arith.constant 64 : index
        %get3A_416 = tpu.vector_load %arg14[%get3A_414, %get3A_415] {strides = array<i32>} : memref<48x128xf32, #tpu.memory_space<vmem>>, vector<1x16xf32>,
        %get3A_417 = vector.shape_cast %get3A_416 : vector<1x16xf32> to vector<16xf32>
        %add3A_418 = arith.addf %add3A_378, %get3A_417 : vector<16xf32>
        %get3A_419 = arith.index_cast %add3A_352 : i32 to index
        %get3A_420 = arith.constant 80 : index
        %get3A_421 = tpu.vector_load %arg14[%get3A_419, %get3A_420] {strides = array<i32>} : memref<48x128xf32, #tpu.memory_space<vmem>>, vector<1x16xf32>,
        %get3A_422 = vector.shape_cast %get3A_421 : vector<1x16xf32> to vector<16xf32>
        %add3A_423 = arith.addf %add3A_383, %get3A_422 : vector<16xf32>
        %get3A_424 = arith.index_cast %add3A_352 : i32 to index
        %get3A_425 = arith.constant 96 : index
        %get3A_426 = tpu.vector_load %arg14[%get3A_424, %get3A_425] {strides = array<i32>} : memref<48x128xf32, #tpu.memory_space<vmem>>, vector<1x16xf32>,
        %get3A_427 = vector.shape_cast %get3A_426 : vector<1x16xf32> to vector<16xf32>
        %add3A_428 = arith.addf %add3A_388, %get3A_427 : vector<16xf32>
        %get3A_429 = arith.index_cast %add3A_352 : i32 to index
        %get3A_430 = arith.constant 112 : index
        %get3A_431 = tpu.vector_load %arg14[%get3A_429, %get3A_430] {strides = array<i32>} : memref<48x128xf32, #tpu.memory_space<vmem>>, vector<1x16xf32>,
        %get3A_432 = vector.shape_cast %get3A_431 : vector<1x16xf32> to vector<16xf32>
        %add3A_433 = arith.addf %add3A_393, %get3A_432 : vector<16xf32>
        scf.yield %add3A_398, %add3A_403, %add3A_408, %add3A_413, %add3A_418, %add3A_423, %add3A_428, %add3A_433 : vector<16xf32>, vector<16xf32>, vector<16xf32>, vector<16xf32>, vector<16xf32>, vector<16xf32>, vector<16xf32>, vector<16xf32>
      }
      %scan3A_299 = arith.constant 24 : i32
      %swap3A_300 = arith.index_cast %add3A_278 : i32 to index
      %swap3A_301 = arith.constant 0 : index
      %swap3A_302 = tpu.vector_load %arg6[%swap3A_300, %swap3A_301] {strides = array<i32>} : memref<128x128xf32, #tpu.memory_space<vmem>>, vector<1x16xf32>,
      %swap3A_303 = vector.shape_cast %swap3A_302 : vector<1x16xf32> to vector<16xf32>
      %swap3A_304 = vector.shape_cast %scan3A_298#0 : vector<16xf32> to vector<1x16xf32>
      tpu.vector_store %arg6[%swap3A_300, %swap3A_301], %swap3A_304 {strides = array<i32>} : memref<128x128xf32, #tpu.memory_space<vmem>>, vector<1x16xf32>,
      %swap3A_305 = arith.index_cast %add3A_278 : i32 to index
      %swap3A_306 = arith.constant 16 : index
      %swap3A_307 = tpu.vector_load %arg6[%swap3A_305, %swap3A_306] {strides = array<i32>} : memref<128x128xf32, #tpu.memory_space<vmem>>, vector<1x16xf32>,
      %swap3A_308 = vector.shape_cast %swap3A_307 : vector<1x16xf32> to vector<16xf32>
      %swap3A_309 = vector.shape_cast %scan3A_298#1 : vector<16xf32> to vector<1x16xf32>
      tpu.vector_store %arg6[%swap3A_305, %swap3A_306], %swap3A_309 {strides = array<i32>} : memref<128x128xf32, #tpu.memory_space<vmem>>, vector<1x16xf32>,
      %swap3A_310 = arith.index_cast %add3A_278 : i32 to index
      %swap3A_311 = arith.constant 32 : index
      %swap3A_312 = tpu.vector_load %arg6[%swap3A_310, %swap3A_311] {strides = array<i32>} : memref<128x128xf32, #tpu.memory_space<vmem>>, vector<1x16xf32>,
      %swap3A_313 = vector.shape_cast %swap3A_312 : vector<1x16xf32> to vector<16xf32>
      %swap3A_314 = vector.shape_cast %scan3A_298#2 : vector<16xf32> to vector<1x16xf32>
      tpu.vector_store %arg6[%swap3A_310, %swap3A_311], %swap3A_314 {strides = array<i32>} : memref<128x128xf32, #tpu.memory_space<vmem>>, vector<1x16xf32>,
      %swap3A_315 = arith.index_cast %add3A_278 : i32 to index
      %swap3A_316 = arith.constant 48 : index
      %swap3A_317 = tpu.vector_load %arg6[%swap3A_315, %swap3A_316] {strides = array<i32>} : memref<128x128xf32, #tpu.memory_space<vmem>>, vector<1x16xf32>,
      %swap3A_318 = vector.shape_cast %swap3A_317 : vector<1x16xf32> to vector<16xf32>
      %swap3A_319 = vector.shape_cast %scan3A_298#3 : vector<16xf32> to vector<1x16xf32>
      tpu.vector_store %arg6[%swap3A_315, %swap3A_316], %swap3A_319 {strides = array<i32>} : memref<128x128xf32, #tpu.memory_space<vmem>>, vector<1x16xf32>,
      %swap3A_320 = arith.index_cast %add3A_278 : i32 to index
      %swap3A_321 = arith.constant 64 : index
      %swap3A_322 = tpu.vector_load %arg6[%swap3A_320, %swap3A_321] {strides = array<i32>} : memref<128x128xf32, #tpu.memory_space<vmem>>, vector<1x16xf32>,
      %swap3A_323 = vector.shape_cast %swap3A_322 : vector<1x16xf32> to vector<16xf32>
      %swap3A_324 = vector.shape_cast %scan3A_298#4 : vector<16xf32> to vector<1x16xf32>
      tpu.vector_store %arg6[%swap3A_320, %swap3A_321], %swap3A_324 {strides = array<i32>} : memref<128x128xf32, #tpu.memory_space<vmem>>, vector<1x16xf32>,
      %swap3A_325 = arith.index_cast %add3A_278 : i32 to index
      %swap3A_326 = arith.constant 80 : index
      %swap3A_327 = tpu.vector_load %arg6[%swap3A_325, %swap3A_326] {strides = array<i32>} : memref<128x128xf32, #tpu.memory_space<vmem>>, vector<1x16xf32>,
      %swap3A_328 = vector.shape_cast %swap3A_327 : vector<1x16xf32> to vector<16xf32>
      %swap3A_329 = vector.shape_cast %scan3A_298#5 : vector<16xf32> to vector<1x16xf32>
      tpu.vector_store %arg6[%swap3A_325, %swap3A_326], %swap3A_329 {strides = array<i32>} : memref<128x128xf32, #tpu.memory_space<vmem>>, vector<1x16xf32>,
      %swap3A_330 = arith.index_cast %add3A_278 : i32 to index
      %swap3A_331 = arith.constant 96 : index
      %swap3A_332 = tpu.vector_load %arg6[%swap3A_330, %swap3A_331] {strides = array<i32>} : memref<128x128xf32, #tpu.memory_space<vmem>>, vector<1x16xf32>,
      %swap3A_333 = vector.shape_cast %swap3A_332 : vector<1x16xf32> to vector<16xf32>
      %swap3A_334 = vector.shape_cast %scan3A_298#6 : vector<16xf32> to vector<1x16xf32>
      tpu.vector_store %arg6[%swap3A_330, %swap3A_331], %swap3A_334 {strides = array<i32>} : memref<128x128xf32, #tpu.memory_space<vmem>>, vector<1x16xf32>,
      %swap3A_335 = arith.index_cast %add3A_278 : i32 to index
      %swap3A_336 = arith.constant 112 : index
      %swap3A_337 = tpu.vector_load %arg6[%swap3A_335, %swap3A_336] {strides = array<i32>} : memref<128x128xf32, #tpu.memory_space<vmem>>, vector<1x16xf32>,
      %swap3A_338 = vector.shape_cast %swap3A_337 : vector<1x16xf32> to vector<16xf32>
      %swap3A_339 = vector.shape_cast %scan3A_298#7 : vector<16xf32> to vector<1x16xf32>
      tpu.vector_store %arg6[%swap3A_335, %swap3A_336], %swap3A_339 {strides = array<i32>} : memref<128x128xf32, #tpu.memory_space<vmem>>, vector<1x16xf32>,
    }
    %scan3A_63 = arith.constant 64 : i32
    "tpu.region"() ({
      %run_scoped3A = tpu.sem_alloc : memref<!tpu.dma_semaphore, #tpu.memory_space<semaphore_mem>>
      %dma_start3A_64 = arith.constant 0 : i32
      %dma_start3A_65 = tpu.memref_slice %arg4[%mul3A_2, %dma_start3A_64] : memref<4096x128xf32, #tpu.memory_space<hbm>> -> memref<128x128xf32, #tpu.memory_space<hbm>>
      %dma_start3A_66 = arith.constant 0 : i32
      %dma_start3A_67 = tpu.memref_slice %arg4[%mul3A_2, %dma_start3A_66] : memref<4096x128xf32, #tpu.memory_space<hbm>> -> memref<128x128xf32, #tpu.memory_space<hbm>>
      tpu.enqueue_dma source(%arg6 : memref<128x128xf32, #tpu.memory_space<vmem>>) target(%dma_start3A_67 : memref<128x128xf32, #tpu.memory_space<hbm>>) target_semaphore(%run_scoped3A : memref<!tpu.dma_semaphore, #tpu.memory_space<semaphore_mem>>)
      %dma_wait3A = arith.constant 0 : i32
      %dma_wait3A_68 = tpu.memref_slice %arg4[%mul3A_2, %dma_wait3A] : memref<4096x128xf32, #tpu.memory_space<hbm>> -> memref<128x128xf32, #tpu.memory_space<hbm>>
      %dma_wait3A_69 = arith.constant 0 : i32
      %dma_wait3A_70 = tpu.memref_slice %arg4[%mul3A_2, %dma_wait3A_69] : memref<4096x128xf32, #tpu.memory_space<hbm>> -> memref<128x128xf32, #tpu.memory_space<hbm>>
      tpu.wait_dma2 semaphore(%run_scoped3A : memref<!tpu.dma_semaphore, #tpu.memory_space<semaphore_mem>>) src(%arg6 : memref<128x128xf32, #tpu.memory_space<vmem>>) dst(%dma_wait3A_70 : memref<128x128xf32, #tpu.memory_space<hbm>>)
      tpu.yield
    }) : () -> ()
    return
  }
}

module attributes {stable_mosaic.version = 14 : i64} {
  func.func @body(%arg0: i32, %arg1: memref<512x128xf32, #tpu.memory_space<vmem>>, %arg2: memref<512x1xf32, #tpu.memory_space<vmem>>, %arg3: memref<128x50xf32, #tpu.memory_space<vmem>>, %arg4: memref<1x50xf32, #tpu.memory_space<vmem>>, %arg5: memref<50x20xf32, #tpu.memory_space<vmem>>, %arg6: memref<1x20xf32, #tpu.memory_space<vmem>>, %arg7: memref<512x20xf32, #tpu.memory_space<vmem>>) attributes {dimension_semantics = [#tpu.dimension_semantics<arbitrary>], iteration_bounds = array<i64: 8>, scalar_prefetch = 0 : i64, scratch_operands = 0 : i64, tpu.core_type = #tpu.core_type<tc>, window_params = [{transform_indices = @transform_0, window_bounds = array<i64: 512, 128>}, {transform_indices = @transform_1, window_bounds = array<i64: 512, 1>}, {pipeline_mode = #tpu.pipeline_mode<synchronous>, transform_indices = @transform_2, window_bounds = array<i64: 128, 50>}, {pipeline_mode = #tpu.pipeline_mode<synchronous>, transform_indices = @transform_3, window_bounds = array<i64: 1, 50>}, {pipeline_mode = #tpu.pipeline_mode<synchronous>, transform_indices = @transform_4, window_bounds = array<i64: 50, 20>}, {pipeline_mode = #tpu.pipeline_mode<synchronous>, transform_indices = @transform_5, window_bounds = array<i64: 1, 20>}, {transform_indices = @transform_6, window_bounds = array<i64: 512, 20>}]} {
    %get3A = arith.constant 0 : index
    %get3A_0 = arith.constant 0 : index
    %get3A_1 = vector.load %arg1[%get3A, %get3A_0] : memref<512x128xf32, #tpu.memory_space<vmem>>, vector<512x128xf32>
    %get3A_2 = arith.constant 0 : index
    %get3A_3 = arith.constant 0 : index
    %get3A_4 = vector.load %arg2[%get3A_2, %get3A_3] : memref<512x1xf32, #tpu.memory_space<vmem>>, vector<512x1xf32>
    %div3A = vector.broadcast %get3A_4 : vector<512x1xf32> to vector<512x128xf32>
    %div3A_5 = arith.divf %get3A_1, %div3A : vector<512x128xf32>
    %get3A_6 = arith.constant 0 : index
    %get3A_7 = arith.constant 0 : index
    %get3A_8 = vector.load %arg3[%get3A_6, %get3A_7] : memref<128x50xf32, #tpu.memory_space<vmem>>, vector<128x50xf32>
    %dot_general3A = arith.constant dense<0.000000e+00> : vector<512x50xf32>
    %dot_general3A_9 = tpu.matmul %div3A_5, %get3A_8, %dot_general3A {dimension_numbers = #tpu.dot_dimension_numbers<[1], [0], [0], [1], [0, 0, 1, 1], [], []>, transpose_lhs_hint = false} : vector<512x128xf32>, vector<128x50xf32>, vector<512x50xf32> -> vector<512x50xf32>
    %get3A_10 = arith.constant 0 : index
    %get3A_11 = arith.constant 0 : index
    %get3A_12 = vector.load %arg4[%get3A_10, %get3A_11] : memref<1x50xf32, #tpu.memory_space<vmem>>, vector<1x50xf32>
    %add3A = vector.broadcast %get3A_12 : vector<1x50xf32> to vector<512x50xf32>
    %add3A_13 = arith.addf %dot_general3A_9, %add3A : vector<512x50xf32>
    %max3A = arith.constant 0.000000e+00 : f32
    %max3A_14 = vector.broadcast %max3A : f32 to vector<512x50xf32>
    %max3A_15 = arith.maximumf %add3A_13, %max3A_14 : vector<512x50xf32>
    %get3A_16 = arith.constant 0 : index
    %get3A_17 = arith.constant 0 : index
    %get3A_18 = vector.load %arg5[%get3A_16, %get3A_17] : memref<50x20xf32, #tpu.memory_space<vmem>>, vector<50x20xf32>
    %dot_general3A_19 = arith.constant dense<0.000000e+00> : vector<512x20xf32>
    %dot_general3A_20 = tpu.matmul %max3A_15, %get3A_18, %dot_general3A_19 {dimension_numbers = #tpu.dot_dimension_numbers<[1], [0], [0], [1], [0, 0, 1, 1], [], []>, transpose_lhs_hint = false} : vector<512x50xf32>, vector<50x20xf32>, vector<512x20xf32> -> vector<512x20xf32>
    %get3A_21 = arith.constant 0 : index
    %get3A_22 = arith.constant 0 : index
    %get3A_23 = vector.load %arg6[%get3A_21, %get3A_22] : memref<1x20xf32, #tpu.memory_space<vmem>>, vector<1x20xf32>
    %add3A_24 = vector.broadcast %get3A_23 : vector<1x20xf32> to vector<512x20xf32>
    %add3A_25 = arith.addf %dot_general3A_20, %add3A_24 : vector<512x20xf32>
    %swap3A = arith.constant 0 : index
    %swap3A_26 = arith.constant 0 : index
    %swap3A_27 = vector.load %arg7[%swap3A, %swap3A_26] : memref<512x20xf32, #tpu.memory_space<vmem>>, vector<512x20xf32>
    tpu.vector_store %arg7[%swap3A, %swap3A_26], %add3A_25 {strides = array<i32>} : memref<512x20xf32, #tpu.memory_space<vmem>>, vector<512x20xf32>,
    return
  }
  func.func @transform_0(%arg0: i32) -> (i32, i32) {
    %c0_i32 = arith.constant 0 : i32
    %c0_i32_0 = arith.constant 0 : i32
    return %arg0, %c0_i32 : i32, i32
  }
  func.func @transform_1(%arg0: i32) -> (i32, i32) {
    %c0_i32 = arith.constant 0 : i32
    %c0_i32_0 = arith.constant 0 : i32
    return %arg0, %c0_i32 : i32, i32
  }
  func.func @transform_2(%arg0: i32) -> (i32, i32) {
    %c0_i32 = arith.constant 0 : i32
    %c0_i32_0 = arith.constant 0 : i32
    %c0_i32_1 = arith.constant 0 : i32
    return %c0_i32, %c0_i32_0 : i32, i32
  }
  func.func @transform_3(%arg0: i32) -> (i32, i32) {
    %c0_i32 = arith.constant 0 : i32
    %c0_i32_0 = arith.constant 0 : i32
    %c0_i32_1 = arith.constant 0 : i32
    return %c0_i32, %c0_i32_0 : i32, i32
  }
  func.func @transform_4(%arg0: i32) -> (i32, i32) {
    %c0_i32 = arith.constant 0 : i32
    %c0_i32_0 = arith.constant 0 : i32
    %c0_i32_1 = arith.constant 0 : i32
    return %c0_i32, %c0_i32_0 : i32, i32
  }
  func.func @transform_5(%arg0: i32) -> (i32, i32) {
    %c0_i32 = arith.constant 0 : i32
    %c0_i32_0 = arith.constant 0 : i32
    %c0_i32_1 = arith.constant 0 : i32
    return %c0_i32, %c0_i32_0 : i32, i32
  }
  func.func @transform_6(%arg0: i32) -> (i32, i32) {
    %c0_i32 = arith.constant 0 : i32
    %c0_i32_0 = arith.constant 0 : i32
    return %arg0, %c0_i32 : i32, i32
  }
}

</mosaic_0001>

<sc_bundles>
// kernel: kernel.4.cloned.1.call-start
scs
__scs_entry_jumppad:
0x0: {  	(pc) =	sbr.rel $0x88, $3  }
0x1: {  	(tag) =	ssettag $0x0;
	lr =	simm.s32 $0x1  }
0x2: {  	[smem:$0x3F9A] =	sst lr;
	_ =	strace $0xD0000000  }
0x3: {  	_ = 	snop  }
0x4: {  	_ = 	snop  }
0x5: {  	_ = 	snop  }
0x6: {  	_ = 	snop  }
0x7: {  	_ = 	snop  }
__scs_overlays_trampoline_lowered:
0x8: {  	[smem:$0x3FA9] =	sst s0  }
0x9: {  	[smem:$0x3FAA] =	sst s1  }
0xa: {  	[smem:$0x3FAB] =	sst s2  }
0xb: {  	[smem:$0x3FAC] =	sst s3  }
0xc: {  	[smem:$0x3FAD] =	sst s4  }
0xd: {  	[smem:$0x3FAE] =	sst s5  }
0xe: {  	[smem:$0x3FAF] =	sst s6  }
0xf: {  	[smem:$0x3FB0] =	sst s7  }
0x10: {  	[smem:$0x3FB1] =	sst s8  }
0x11: {  	[smem:$0x3FB2] =	sst s9;
	s0 =	simm.s32 @!p0 $0x0  }
0x12: {  	s1 =	sld [smem:$0x3F98];
	s0 =	simm.s32 @p0 $0x1  }
0x13: {  	[smem:$0x3FB3] =	sst s0;
	s0 =	simm.s32 @!p1 $0x0  }
0x14: {  	s2 =	sld [smem:$0x3F97];
	s0 =	simm.s32 @p1 $0x1  }
0x15: {  	[smem:$0x3FB4] =	sst s0;
	s0 =	simm.s32 @!p2 $0x0  }
0x16: {  	s3 =	sld [smem:$0x3FDB];
	s0 =	simm.s32 @p2 $0x1  }
0x17: {  	s4 =	simm.s32 $0x1BF5;
	[smem:$0x3FB6] =	sst s0  }
0x18: {  	s0 =	sld [smem:$0x3F99];
	_ =	swait.ge [sflag:s4], $0x0  }
0x19: {  	s7 =	sld [smem:$0x3F9A]  }
0x1a: {  	s8 =	sadd.s32 $0xFFFFE003, lr  }
0x1b: {  	s9 =	sadd.s32 $0xFFFFFEF7, lr;
	s5 =	simm.s32 $0xFFFFFFFF;
	p2 =	slt.u32 s8, $0xFFFFF086  }
0x1c: {  	p1 =	slt.u32 s9, $0xF7A;
	s5 =	simm.s32 @!p2 $0x0  }
0x1d: {  	s5 =	simm.s32 @p1 $0x1;
	p0 =	seq.s32 s7, s2  }
0x1e: {  	s7 =	smul.u32 @!p0 $0xF7A, s2;
	p2 =	seq.s32 @!p0 s5, $0x0  }
0x1f: {  	s9 =	smul.u32 $0xF7A, s1;
	s8 =	simm.s32 @!p0 $0x1BF5;
	p2 =	por !p2, p0  }
0x20: {  	[sflag:s8] =	ssyncset.s32 @!p0 $0xFFFFF086;
	s6 =	sadd.s32 @!p0 s3, s7;
	s7 =	simm.s32 @!p0 $0x108  }
0x21: {  	s3 =	sadd.s32 s3, s9;
	s6 =	sadd.s32 @!p0 $0x88, s6;
	s7 =	simm.s32 @p2 $0x1082  }
0x22: {  	[simem:s7], [sflag:s8] =	dma.local @!p0 [hbm:s6], $0xF7A  }
0x23: {  	s9 =	sor.u32 $0xD0000000, s2;
	s6 =	simm.s32 $0x108;
	_ =	swait.ge @!p0 [sflag:s8], $0x0  }
0x24: {  	s3 =	sadd.s32 $0x88, s3;
	s6 =	simm.s32 @!p1 $0x1082;
	[sflag:s4] =	ssyncset.s32 $0xFFFFF086  }
0x25: {  	[simem:s6], [sflag:s4] =	dma.local [hbm:s3], $0xF7A  }
0x26: {  	[smem:$0x3F9A] =	sst s1;
	(tag) =	ssettag s2;
	_ =	strace s9  }
0x27: {  	s1 =	sld [smem:$0x3FAA]  }
0x28: {  	s2 =	sld [smem:$0x3FAB]  }
0x29: {  	s4 =	sld [smem:$0x3FAD]  }
0x2a: {  	p0 =	seq.s32 s5, $0x0;
	s5 =	sld [smem:$0x3FAE]  }
0x2b: {  	s6 =	sld [smem:$0x3FAF]  }
0x2c: {  	s7 =	sld [smem:$0x3FB0]  }
0x2d: {  	s3 =	simm.s32 $0x108;
	s8 =	sld [smem:$0x3FB1]  }
0x2e: {  	s3 =	simm.s32 @!p0 $0x1082;
	s9 =	sld [smem:$0x3FB2]  }
0x2f: {  	lr =	sadd.s32 s0, s3;
	s0 =	sld [smem:$0x3FA9]  }
0x30: {  	s3 =	sld [smem:$0x3FAC]  }
0x31: {  	[smem:$0x3FB5] =	sst s10  }
0x32: {  	s10 =	sld [smem:$0x3FB3];
	_ =	sdelay $0x3  }
0x33: {  	p0 =	seq.s32 s10, $0x1;
	s10 =	sld [smem:$0x3FB5];
	_ =	sdelay $0x3  }
0x34: {  	[smem:$0x3FB5] =	sst s10  }
0x35: {  	s10 =	sld [smem:$0x3FB4];
	_ =	sdelay $0x3  }
0x36: {  	p1 =	seq.s32 s10, $0x1;
	s10 =	sld [smem:$0x3FB5];
	_ =	sdelay $0x3  }
0x37: {  	[smem:$0x3FB5] =	sst s10  }
0x38: {  	s10 =	sld [smem:$0x3FB6]  }
0x39: {  	_ = 	snop;
	(pc) =	sbr.ind lr, $3  }
0x3a: {  	_ = 	snop  }
0x3b: {  	_ = 	snop  }
0x3c: {  	p2 =	seq.s32 s10, $0x1;
	s10 =	sld [smem:$0x3FB5]  }
0x3d: {  	_ =	shalt  }
0x3e: {  	_ =	shalt  }
0x3f: {  	_ =	shalt  }
0x40: {  	_ =	shalt  }
0x41: {  	_ =	shalt  }
0x42: {  	_ =	shalt  }
0x43: {  	_ =	shalt  }
0x44: {  	_ =	shalt  }
0x45: {  	_ =	shalt  }
0x46: {  	_ =	shalt  }
0x47: {  	_ =	shalt  }
0x48: {  	_ =	shalt  }
0x49: {  	_ =	shalt  }
0x4a: {  	_ =	shalt  }
0x4b: {  	_ =	shalt  }
0x4c: {  	_ =	shalt  }
0x4d: {  	_ =	shalt  }
0x4e: {  	_ =	shalt  }
0x4f: {  	_ =	shalt  }
0x50: {  	_ =	shalt  }
0x51: {  	_ =	shalt  }
0x52: {  	_ =	shalt  }
0x53: {  	_ =	shalt  }
0x54: {  	_ =	shalt  }
0x55: {  	_ =	shalt  }
0x56: {  	_ =	shalt  }
0x57: {  	_ =	shalt  }
0x58: {  	_ =	shalt  }
0x59: {  	_ =	shalt  }
0x5a: {  	_ =	shalt  }
0x5b: {  	_ =	shalt  }
0x5c: {  	_ =	shalt  }
0x5d: {  	_ =	shalt  }
0x5e: {  	_ =	shalt  }
0x5f: {  	_ =	shalt  }
0x60: {  	_ =	shalt  }
0x61: {  	_ =	shalt  }
0x62: {  	_ =	shalt  }
0x63: {  	_ =	shalt  }
0x64: {  	_ =	shalt  }
0x65: {  	_ =	shalt  }
0x66: {  	_ =	shalt  }
0x67: {  	_ =	shalt  }
0x68: {  	_ =	shalt  }
0x69: {  	_ =	shalt  }
0x6a: {  	_ =	shalt  }
0x6b: {  	_ =	shalt  }
0x6c: {  	_ =	shalt  }
0x6d: {  	_ =	shalt  }
0x6e: {  	_ =	shalt  }
0x6f: {  	_ =	shalt  }
0x70: {  	_ =	shalt  }
0x71: {  	_ =	shalt  }
0x72: {  	_ =	shalt  }
0x73: {  	_ =	shalt  }
0x74: {  	_ =	shalt  }
0x75: {  	_ =	shalt  }
0x76: {  	_ =	shalt  }
0x77: {  	_ =	shalt  }
0x78: {  	_ =	shalt  }
0x79: {  	_ =	shalt  }
0x7a: {  	_ =	shalt  }
0x7b: {  	_ =	shalt  }
0x7c: {  	_ =	shalt  }
0x7d: {  	_ =	shalt  }
0x7e: {  	_ =	shalt  }
0x7f: {  	_ =	shalt  }
0x80: {  	_ =	shalt  }
0x81: {  	_ =	shalt  }
0x82: {  	_ =	shalt  }
0x83: {  	_ =	shalt  }
0x84: {  	_ =	shalt  }
0x85: {  	_ =	shalt  }
0x86: {  	_ =	shalt  }
0x87: {  	_ =	shalt  }
.Lfunc_end0:
.L_simem_size_0:
called_computation_lowered:
.L_overlay_start_0:
0x88: {  	s2 =	sld [smem:$0x3FD9]  }
0x89: {  	s3 =	sld [smem:$0x3FFE];
	_ =	sdelay $0x1  }
0x8a: {  	s1 =	srdreg.scid  }
0x8b: {  	s0 =	sand.u32 $0x1, s1  }
0x8c: {  	s17 =	sshll.u32 s0, $0xA;
	s2 =	sadd.s32 s3, s2  }
0x8d: {  	s2 =	sadd.s32 s2, s17  }
0x8e: {  	[smem:$0x3FC1] =	sst s2  }
0x8f: {  	_ = 	snop  }
0x90: {  	s2 =	sld [smem:$0x3FC7];
	(tm) =	ssettm $0x1  }
0x91: {  	s18 =	sld [smem:$0x3FFB];
	_ =	sdelay $0x3  }
0x92: {  	_ =	strace s18  }
0x93: {  	s3 =	sld [smem:$0x3FFC];
	_ =	sdelay $0x3  }
0x94: {  	_ =	strace s3  }
0x95: {  	s3 =	sld [smem:$0x3FFD];
	_ =	sdelay $0x3  }
0x96: {  	_ =	strace s3  }
0x97: {  	_ =	strace $0x8FFFFFFF  }
0x98: {  	s19 =	sld [smem:$0x3FDB];
	_ =	sdelay $0x1  }
0x99: {  	s4 =	simm.s32 $_scs_section_size  }
0x9a: {  	s5 =	simm.s32 $_size__tile_overlayer_lowered;
	s6 =	simm.s32 $_tile_overlayer_lowered  }
0x9b: {  	s22 =	simm.s32 $0x1BFF;
	s21 =	sshll.u32 s6, $0x1;
	s3 =	sadd.s32 s4, s19  }
0x9c: {  	s7 =	simm.s32 $0x0;
	s20 =	sshll.u32 s5, $0x1;
	s5 =	sadd.s32 s21, s3  }
0x9d: {  	[timem:s7], [sflag:s22] =	dma.local [hbm:s5], s20  }
0x9e: {  	_ =	swait.ge [sflag:s22], s20  }
0x9f: {  	s4 =	ssub.s32 $0x0, s20;
	[sflag:s22] =	ssyncset.done $0x0  }
0xa0: {  	[sflag:s22] =	ssyncadd.s32 s4;
	_ =	sdelay $0x1  }
0xa1: {  	s23 =	simm.s32 $0x1B8B  }
0xa2: {  	_ =	swait.ge [sflag:s23], $0x1  }
0xa3: {  	[sflag:s23] =	ssyncset.done $0x0  }
0xa4: {  	s25 =	simm.s32 $0x1B8E;
	s24 =	sld [smem:$0x3FFE];
	[sflag:s23] =	ssyncadd.s32 $0xFFFFFFFF  }
0xa5: {  	s26 =	simm.s32 $execute0_lowered;
	[smem:$0x3FD2] =	sst s25  }
0xa6: {  	s5 =	sshll.u32 s26, $0x1;
	_ =	strace $0x80000046;
	[dreg:$0x1] =	wrdreg $0xFFFFFFFF  }
0xa7: {  	s28 =	simm.s32 $_size_execute0_lowered;
	s3 =	sadd.s32 s3, s5;
	[dreg:$0x0] =	wrdreg $0x0  }
0xa8: {  	s5 =	sshll.u32 s28, $0x1;
	[dreg:$0x2] =	wrdreg s3  }
0xa9: {  	[dreg:$0x3] =	wrdreg s5  }
0xaa: {  	[dreg:$0x4] =	wrdreg $0xC0  }
0xab: {  	_ =	task [dreg:s7], $0x5FFFF  }
0xac: {  	[dreg:$0x1] =	wrdreg $0xFFFFFFFF  }
0xad: {  	[dreg:$0x0] =	wrdreg $0x60  }
0xae: {  	[dreg:$0x2] =	wrdreg s24  }
0xaf: {  	[dreg:$0x3] =	wrdreg s2  }
0xb0: {  	[dreg:$0x4] =	wrdreg $0x9  }
0xb1: {  	_ =	task.clear_ibuf [dreg:s7], $0x5FFFF;
	_ =	strace $0x90000046  }
0xb2: {  	s29 =	simm.s32 $0x9;
	_ =	strace $0x80000048  }
0xb3: {  	_ =	swait.ge [sflag:s29], $0x1  }
0xb4: {  	[sflag:s29] =	ssyncadd.s32 $0xFFFFFFFF  }
0xb5: {  	_ =	strace $0x90000048  }
0xb6: {  	_ =	sfence  }
0xb7: {  	s30 =	sld [smem:$0x0];
	_ =	sdelay $0x2  }
0xb8: {  	s31 =	sshll.u32 s1, $0xD;
	s1 =	sshrl.u32 s1, $0x2  }
0xb9: {  	s3 =	sand.u32 $0x4000, s31;
	s1 =	sadd.s32 s1, s30  }
0xba: {  	s0 =	sor.u32 s3, s0;
	s1 =	sshll.u32 s1, $0x11  }
0xbb: {  	s0 =	sor.u32 s1, s0  }
0xbc: {  	s0 =	sadd.s32 $0x8F2B, s0  }
0xbd: {  	[sflag:s0] =	ssyncadd.remote.s32 $0x1  }
0xbe: {  	_ =	sfence.sel $0xFFFF  }
0xbf: {  	[dreg:$0x0] =	wrdreg $0xFFFFFFFF;
	(pc) =	sbr.abs _section_cstart, $3  }
0xc0: {  	[dreg:$0x1] =	wrdreg $0xFFFFFFFF  }
0xc1: {  	_ =	task.clear_ibuf [dreg:s7], $0x2FFFF;
	_ =	strace $0x9FFFFFFF  }
0xc2: {  	(tm) =	ssettm $0x7FFFFFFF  }
0xc3: {  	_ =	shalt  }
tec
execute0_lowered:
.L_overlay_start_1:
0x0: {  	(tag) =	ssettag $0x1  }
0x1: {  	s0 =	rddreg [dreg:$0x0];
	s1 =	srdreg.scid  }
0x2: {  	s3 =	stileid.u32;
	s2 =	rddreg [dreg:$0x1]  }
0x3: {  	s7 =	simm.s32 $0x9;
	s8 =	simm.s32 $0x38;
	s10 =	simm.s32 $0x30  }
0x4: {  	s17 =	simm.s32 $0x10800;
	s18 =	simm.s32 $0x100;
	s19 =	simm.s32 $0x12400  }
0x5: {  	s20 =	simm.s32 $0x130;
	s21 =	simm.s32 $0x13C00;
	s22 =	simm.s32 $0x160  }
0x6: {  	s23 =	simm.s32 $0x15400;
	s24 =	simm.s32 $0x1;
	s25 =	simm.s32 $0x2  }
0x7: {  	s26 =	simm.s32 $0x3;
	s28 =	simm.s32 $0x4;
	s29 =	simm.s32 $0x5  }
0x8: {  	s30 =	simm.s32 $0x6;
	s1 =	sand.u32 $0x1, s1;
	s4 =	sshll.u32 s3, $0x1  }
0x9: {  	s31 =	simm.s32 $0x7;
	s3 =	simm.s32 $0x0;
	s4 =	sor.u32 s1, s4  }
0xa: {  	[smem:$0x7FF] =	sst s3;
	s1 =	ssub.s32 $0x2, s1;
	s5 =	smul.u32 $0xC80, s4  }
0xb: {  	s9 =	simm.s32 $0x0;
	_ =	strace $0x80000047;
	s6 =	sshrl.u32 s1, $0x1  }
0xc: {  	s4 =	sshll.u32 s4, $0xB;
	s1 =	ssub.s32 s1, s6;
	s5 =	sadd.s32 s5, s0  }
0xd: {  	s0 =	sadd.s32 s4, s0;
	s6 =	smax.u32 s1, $0x1;
	s1 =	simm.s32 $0x8  }
0xe: {  	s4 =	sadd.s32 $0x1000, s5;
	s5 =	sadd.s32 $0x1A000, s0;
	s0 =	simm.s32 $0x6400  }
.LBB2_1:
0xf: {  	[tilespmem:s3], [sflag:$0x9] =	stream.linear.gather [hbm4b:s4+s3], $0x6400, $0x38;
	[tilespmem:$0x16C00] =	vst v63  }
0x10: {  	_ =	swait.ge [sflag:s7], $0x6400  }
0x11: {  	[sflag:s7] =	ssyncset.done $0x0  }
0x12: {  	s11 =	simm.s32 $0xA400;
	[sflag:s7] =	ssyncadd.s32 $0xFFFF9C00  }
0x13: {  	[tilespmem:s11], [sflag:$0x1] =	stream.indirect.gather [hbm4b:s2+s8], $0x80, s3, s8, $0xb8;
	[tilespmem:$0x16C00] =	vst v63  }
0x14: {  	s12 =	simm.s32 $0xC000  }
0x15: {  	[tilespmem:s12], [sflag:$0x2] =	stream.indirect.gather [hbm4b:s2+s10], $0x80, s8, s10, $0xb8;
	[tilespmem:$0x16C00] =	vst v63  }
0x16: {  	s13 =	simm.s32 $0x68;
	s12 =	simm.s32 $0xD800  }
0x17: {  	[tilespmem:s12], [sflag:$0x3] =	stream.indirect.gather [hbm4b:s2+s10], $0x80, s13, s10, $0xb8;
	[tilespmem:$0x16C00] =	vst v63  }
0x18: {  	s14 =	simm.s32 $0x98;
	s15 =	simm.s32 $0xF000  }
0x19: {  	[tilespmem:s15], [sflag:$0x4] =	stream.indirect.gather [hbm4b:s2+s10], $0x80, s14, s10, $0xb8;
	[tilespmem:$0x16C00] =	vst v63  }
0x1a: {  	s16 =	simm.s32 $0xC8  }
0x1b: {  	[tilespmem:s17], [sflag:$0x5] =	stream.indirect.gather [hbm4b:s2+s8], $0x80, s16, s8, $0xb8;
	[tilespmem:$0x16C00] =	vst v63  }
0x1c: {  	_ = 	snop  }
0x1d: {  	[tilespmem:s19], [sflag:$0x6] =	stream.indirect.gather [hbm4b:s2+s10], $0x80, s18, s10, $0xb8;
	[tilespmem:$0x16C00] =	vst v63  }
0x1e: {  	_ = 	snop  }
0x1f: {  	[tilespmem:s21], [sflag:$0x7] =	stream.indirect.gather [hbm4b:s2+s10], $0x80, s20, s10, $0xb8;
	[tilespmem:$0x16C00] =	vst v63  }
0x20: {  	s11 =	simm.s32 $0x0  }
0x21: {  	[tilespmem:s23], [sflag:$0x8] =	stream.indirect.gather [hbm4b:s2+s10], $0x80, s22, s10, $0xb8;
	[tilespmem:$0x16C00] =	vst v63  }
.LBB2_2:
0x22: {  	s13 =	sshll.u32 s11, $0x1  }
0x23: {  	p0 =	seq.s32 s11, $0x3F;
	s12 =	sadd.s32 $0x2, s13  }
0x24: {  	_ =	swait.ge [sflag:s24], $0x1C00;
	s12 =	smul.u32 @!p0 $0x320, s12  }
0x25: {  	[sflag:s24] =	ssyncset.done $0x0;
	s14 =	simm.s32 @!p0 $0x38  }
0x26: {  	s15 =	simm.s32 @!p0 $0xA400;
	[sflag:s24] =	ssyncadd.s32 $0xFFFFE400;
	s12 =	sshra.s32 @!p0 s12, $0x2  }
0x27: {  	[tilespmem:s15], [sflag:$0x1] =	stream.indirect.gather @!p0 [hbm4b:s2+s14], $0x80, s12, s14, $0xb8;
	[tilespmem:$0x16C00] =	vst v63  }
0x28: {  	s14 =	simm.s32 $0x0  }
0x29: {  	v5 =	vld [tilespmem:s14+$0xA480]  }
0x2a: {  	v9 =	vld [tilespmem:s14+$0xA490]  }
0x2b: {  	v7 =	vld [tilespmem:s14+$0xA4A0]  }
0x2c: {  	v11 =	vld [tilespmem:s14+$0xA4B0]  }
0x2d: {  	v1 =	vld [tilespmem:s14+$0xA4C0]  }
0x2e: {  	v3 =	vld [tilespmem:s14+$0xA4D0]  }
0x2f: {  	v23 =	vld [tilespmem:s14+$0xA400]  }
0x30: {  	v25 =	vld [tilespmem:s14+$0xA410]  }
0x31: {  	v19 =	vld [tilespmem:s14+$0xA420]  }
0x32: {  	v24 =	vld [tilespmem:s14+$0xA430]  }
0x33: {  	v2 =	vimm.f32 $0.0e+00;
	v12 =	vimm.f32 $0.0e+00;
	v20 =	vld [tilespmem:s14+$0xA440]  }
0x34: {  	v13 =	vimm.f32 $0.0e+00;
	v18 =	vimm.f32 $0.0e+00;
	v14 =	vimm.f32 $0.0e+00;
	v21 =	vld [tilespmem:s14+$0xA450]  }
0x35: {  	v17 =	vimm.f32 $0.0e+00;
	v15 =	vimm.f32 $0.0e+00;
	v16 =	vimm.f32 $0.0e+00;
	s15 =	simm.s32 $0x400;
	v22 =	vld [tilespmem:s14+$0xA460]  }
.LBB2_3:
0x36: {  	p1 =	sne.s32 s15, $0x6C00;
	v0 =	vadd.f32 v23, v2;
	v4 =	vadd.f32 v25, v12;
	v6 =	vld [tilespmem:s14+$0xA470]  }
0x37: {  	v8 =	vadd.f32 v19, v13;
	v10 =	vadd.f32 v24, v18;
	v19 =	vld [tilespmem:s14+$0xA4E0]  }
0x38: {  	v2 =	vadd.f32 v5, v0;
	v12 =	vadd.f32 v9, v4;
	v0 =	vld [tilespmem:s14+$0xA4F0];
	s14 =	sshra.s32 s15, $0x2  }
0x39: {  	v13 =	vadd.f32 v7, v8;
	v5 =	vld [tilespmem:s14+$0xA480];
	v18 =	vadd.f32 v11, v10  }
0x3a: {  	v4 =	vadd.f32 v20, v14;
	v8 =	vadd.f32 v21, v17;
	v9 =	vld [tilespmem:s14+$0xA490]  }
0x3b: {  	v10 =	vadd.f32 v22, v15;
	v7 =	vld [tilespmem:s14+$0xA4A0];
	v6 =	vadd.f32 v6, v16  }
0x3c: {  	v14 =	vadd.f32 v1, v4;
	v17 =	vadd.f32 v3, v8;
	v11 =	vld [tilespmem:s14+$0xA4B0]  }
0x3d: {  	v15 =	vadd.f32 v19, v10;
	v1 =	vld [tilespmem:s14+$0xA4C0];
	v16 =	vadd.f32 v0, v6  }
0x3e: {  	v3 =	vld [tilespmem:s14+$0xA4D0]  }
0x3f: {  	v23 =	vld [tilespmem:s14+$0xA400]  }
0x40: {  	v25 =	vld [tilespmem:s14+$0xA410]  }
.Ltmp0:
0x41: {  	v19 =	vld [tilespmem:s14+$0xA420];
	(pc) =	sbr.rel @p1 .LBB2_3-.Ltmp0, $4  }
0x42: {  	v24 =	vld [tilespmem:s14+$0xA430]  }
0x43: {  	v20 =	vld [tilespmem:s14+$0xA440]  }
0x44: {  	v21 =	vld [tilespmem:s14+$0xA450]  }
0x45: {  	s15 =	sadd.s32 $0x400, s15;
	v22 =	vld [tilespmem:s14+$0xA460]  }
0x46: {  	v27 =	vld [tilespmem:s14+$0xA470]  }
0x47: {  	v28 =	vld [tilespmem:s14+$0xA4E0]  }
0x48: {  	v29 =	vld [tilespmem:s14+$0xA4F0];
	_ =	swait.ge [sflag:s25], $0x1800  }
0x49: {  	s14 =	sadd.s32 @!p0 $0x38, s12;
	[sflag:s25] =	ssyncset.done $0x0  }
0x4a: {  	s15 =	simm.s32 @!p0 $0x30;
	s16 =	simm.s32 @!p0 $0xC000;
	[sflag:s25] =	ssyncadd.s32 $0xFFFFE800  }
0x4b: {  	[tilespmem:s16], [sflag:$0x2] =	stream.indirect.gather @!p0 [hbm4b:s2+s15], $0x80, s14, s15, $0xb8;
	[tilespmem:$0x16C00] =	vst v63  }
0x4c: {  	s14 =	simm.s32 $0x0  }
0x4d: {  	v4 =	vld [tilespmem:s14+$0xC080]  }
0x4e: {  	v8 =	vld [tilespmem:s14+$0xC090]  }
0x4f: {  	v6 =	vld [tilespmem:s14+$0xC0A0]  }
0x50: {  	v10 =	vld [tilespmem:s14+$0xC0B0]  }
0x51: {  	v0 =	vld [tilespmem:s14+$0xC0C0]  }
0x52: {  	v26 =	vadd.f32 v23, v2;
	v25 =	vadd.f32 v25, v12;
	v2 =	vld [tilespmem:s14+$0xC0D0]  }
0x53: {  	v19 =	vadd.f32 v19, v13;
	v30 =	vadd.f32 v24, v18;
	v23 =	vld [tilespmem:s14+$0xC000]  }
0x54: {  	v12 =	vadd.f32 v5, v26;
	v13 =	vadd.f32 v9, v25;
	v24 =	vld [tilespmem:s14+$0xC010]  }
0x55: {  	v18 =	vadd.f32 v7, v19;
	v5 =	vadd.f32 v20, v14;
	v25 =	vld [tilespmem:s14+$0xC020]  }
0x56: {  	v19 =	vadd.f32 v11, v30;
	v7 =	vadd.f32 v21, v17;
	v26 =	vld [tilespmem:s14+$0xC030]  }
0x57: {  	v9 =	vadd.f32 v22, v15;
	v20 =	vld [tilespmem:s14+$0xC040];
	v11 =	vadd.f32 v27, v16  }
0x58: {  	v14 =	vadd.f32 v1, v5;
	v21 =	vld [tilespmem:s14+$0xC050];
	v15 =	vadd.f32 v3, v7  }
0x59: {  	s15 =	simm.s32 $0x400;
	v22 =	vld [tilespmem:s14+$0xC060];
	v16 =	vadd.f32 v28, v9;
	v17 =	vadd.f32 v29, v11  }
.LBB2_5:
0x5a: {  	p1 =	sne.s32 s15, $0x5C00;
	v1 =	vadd.f32 v23, v12;
	v3 =	vadd.f32 v24, v13;
	v5 =	vld [tilespmem:s14+$0xC070]  }
0x5b: {  	v7 =	vadd.f32 v25, v18;
	v9 =	vadd.f32 v26, v19;
	v11 =	vld [tilespmem:s14+$0xC0E0]  }
0x5c: {  	v12 =	vadd.f32 v4, v1;
	v13 =	vadd.f32 v8, v3;
	v1 =	vld [tilespmem:s14+$0xC0F0];
	s14 =	sshra.s32 s15, $0x2  }
0x5d: {  	v18 =	vadd.f32 v6, v7;
	v4 =	vld [tilespmem:s14+$0xC080];
	v19 =	vadd.f32 v10, v9  }
0x5e: {  	v3 =	vadd.f32 v20, v14;
	v7 =	vadd.f32 v21, v15;
	v8 =	vld [tilespmem:s14+$0xC090]  }
0x5f: {  	v9 =	vadd.f32 v22, v16;
	v6 =	vld [tilespmem:s14+$0xC0A0];
	v5 =	vadd.f32 v5, v17  }
0x60: {  	v14 =	vadd.f32 v0, v3;
	v15 =	vadd.f32 v2, v7;
	v10 =	vld [tilespmem:s14+$0xC0B0]  }
0x61: {  	v16 =	vadd.f32 v11, v9;
	v0 =	vld [tilespmem:s14+$0xC0C0];
	v17 =	vadd.f32 v1, v5  }
0x62: {  	v2 =	vld [tilespmem:s14+$0xC0D0]  }
0x63: {  	v23 =	vld [tilespmem:s14+$0xC000]  }
0x64: {  	v24 =	vld [tilespmem:s14+$0xC010]  }
.Ltmp1:
0x65: {  	v25 =	vld [tilespmem:s14+$0xC020];
	(pc) =	sbr.rel @p1 .LBB2_5-.Ltmp1, $4  }
0x66: {  	v26 =	vld [tilespmem:s14+$0xC030]  }
0x67: {  	v20 =	vld [tilespmem:s14+$0xC040]  }
0x68: {  	v21 =	vld [tilespmem:s14+$0xC050]  }
0x69: {  	s15 =	sadd.s32 $0x400, s15;
	v22 =	vld [tilespmem:s14+$0xC060]  }
0x6a: {  	v27 =	vld [tilespmem:s14+$0xC070]  }
0x6b: {  	v28 =	vld [tilespmem:s14+$0xC0E0]  }
0x6c: {  	v29 =	vld [tilespmem:s14+$0xC0F0];
	_ =	swait.ge [sflag:s26], $0x1800  }
0x6d: {  	s14 =	sadd.s32 @!p0 $0x68, s12;
	[sflag:s26] =	ssyncset.done $0x0  }
0x6e: {  	s15 =	simm.s32 @!p0 $0x30;
	s16 =	simm.s32 @!p0 $0xD800;
	[sflag:s26] =	ssyncadd.s32 $0xFFFFE800  }
0x6f: {  	[tilespmem:s16], [sflag:$0x3] =	stream.indirect.gather @!p0 [hbm4b:s2+s15], $0x80, s14, s15, $0xb8;
	[tilespmem:$0x16C00] =	vst v63  }
0x70: {  	s14 =	simm.s32 $0x0  }
0x71: {  	v5 =	vld [tilespmem:s14+$0xD880]  }
0x72: {  	v9 =	vld [tilespmem:s14+$0xD890]  }
0x73: {  	v7 =	vld [tilespmem:s14+$0xD8A0]  }
0x74: {  	v11 =	vld [tilespmem:s14+$0xD8B0]  }
0x75: {  	v1 =	vld [tilespmem:s14+$0xD8C0]  }
0x76: {  	v12 =	vadd.f32 v23, v12;
	v13 =	vadd.f32 v24, v13;
	v3 =	vld [tilespmem:s14+$0xD8D0]  }
0x77: {  	v18 =	vadd.f32 v25, v18;
	v19 =	vadd.f32 v26, v19;
	v23 =	vld [tilespmem:s14+$0xD800]  }
0x78: {  	v12 =	vadd.f32 v4, v12;
	v13 =	vadd.f32 v8, v13;
	v24 =	vld [tilespmem:s14+$0xD810]  }
0x79: {  	v18 =	vadd.f32 v6, v18;
	v4 =	vadd.f32 v20, v14;
	v25 =	vld [tilespmem:s14+$0xD820]  }
0x7a: {  	v19 =	vadd.f32 v10, v19;
	v6 =	vadd.f32 v21, v15;
	v26 =	vld [tilespmem:s14+$0xD830]  }
0x7b: {  	v8 =	vadd.f32 v22, v16;
	v20 =	vld [tilespmem:s14+$0xD840];
	v10 =	vadd.f32 v27, v17  }
0x7c: {  	v14 =	vadd.f32 v0, v4;
	v21 =	vld [tilespmem:s14+$0xD850];
	v15 =	vadd.f32 v2, v6  }
0x7d: {  	s15 =	simm.s32 $0x400;
	v22 =	vld [tilespmem:s14+$0xD860];
	v16 =	vadd.f32 v28, v8;
	v17 =	vadd.f32 v29, v10  }
.LBB2_7:
0x7e: {  	p1 =	sne.s32 s15, $0x5C00;
	v0 =	vadd.f32 v23, v12;
	v2 =	vadd.f32 v24, v13;
	v4 =	vld [tilespmem:s14+$0xD870]  }
0x7f: {  	v6 =	vadd.f32 v25, v18;
	v8 =	vadd.f32 v26, v19;
	v10 =	vld [tilespmem:s14+$0xD8E0]  }
0x80: {  	v12 =	vadd.f32 v5, v0;
	v13 =	vadd.f32 v9, v2;
	v0 =	vld [tilespmem:s14+$0xD8F0];
	s14 =	sshra.s32 s15, $0x2  }
0x81: {  	v18 =	vadd.f32 v7, v6;
	v5 =	vld [tilespmem:s14+$0xD880];
	v19 =	vadd.f32 v11, v8  }
0x82: {  	v2 =	vadd.f32 v20, v14;
	v6 =	vadd.f32 v21, v15;
	v9 =	vld [tilespmem:s14+$0xD890]  }
0x83: {  	v8 =	vadd.f32 v22, v16;
	v7 =	vld [tilespmem:s14+$0xD8A0];
	v4 =	vadd.f32 v4, v17  }
0x84: {  	v14 =	vadd.f32 v1, v2;
	v15 =	vadd.f32 v3, v6;
	v11 =	vld [tilespmem:s14+$0xD8B0]  }
0x85: {  	v16 =	vadd.f32 v10, v8;
	v1 =	vld [tilespmem:s14+$0xD8C0];
	v17 =	vadd.f32 v0, v4  }
0x86: {  	v3 =	vld [tilespmem:s14+$0xD8D0]  }
0x87: {  	v23 =	vld [tilespmem:s14+$0xD800]  }
0x88: {  	v24 =	vld [tilespmem:s14+$0xD810]  }
.Ltmp2:
0x89: {  	v25 =	vld [tilespmem:s14+$0xD820];
	(pc) =	sbr.rel @p1 .LBB2_7-.Ltmp2, $4  }
0x8a: {  	v26 =	vld [tilespmem:s14+$0xD830]  }
0x8b: {  	v20 =	vld [tilespmem:s14+$0xD840]  }
0x8c: {  	v21 =	vld [tilespmem:s14+$0xD850]  }
0x8d: {  	s15 =	sadd.s32 $0x400, s15;
	v22 =	vld [tilespmem:s14+$0xD860]  }
0x8e: {  	v27 =	vld [tilespmem:s14+$0xD870]  }
0x8f: {  	v28 =	vld [tilespmem:s14+$0xD8E0]  }
0x90: {  	v29 =	vld [tilespmem:s14+$0xD8F0];
	_ =	swait.ge [sflag:s28], $0x1800  }
0x91: {  	s12 =	sadd.s32 @!p0 $0x98, s12;
	[sflag:s28] =	ssyncset.done $0x0  }
0x92: {  	s14 =	simm.s32 @!p0 $0x30;
	s15 =	simm.s32 @!p0 $0xF000;
	[sflag:s28] =	ssyncadd.s32 $0xFFFFE800  }
0x93: {  	[tilespmem:s15], [sflag:$0x4] =	stream.indirect.gather @!p0 [hbm4b:s2+s14], $0x80, s12, s14, $0xb8;
	[tilespmem:$0x16C00] =	vst v63  }
0x94: {  	s12 =	simm.s32 $0x0  }
0x95: {  	v8 =	vld [tilespmem:s12+$0xF080]  }
0x96: {  	v10 =	vld [tilespmem:s12+$0xF090]  }
0x97: {  	v4 =	vld [tilespmem:s12+$0xF0A0]  }
0x98: {  	v6 =	vld [tilespmem:s12+$0xF0B0]  }
0x99: {  	v0 =	vld [tilespmem:s12+$0xF0C0]  }
0x9a: {  	v12 =	vadd.f32 v23, v12;
	v13 =	vadd.f32 v24, v13;
	v2 =	vld [tilespmem:s12+$0xF0D0]  }
0x9b: {  	v23 =	vadd.f32 v25, v18;
	v63 =	vadd.f32 v26, v19;
	v18 =	vld [tilespmem:s12+$0xF000]  }
0x9c: {  	v12 =	vadd.f32 v5, v12;
	v9 =	vadd.f32 v9, v13;
	v19 =	vld [tilespmem:s12+$0xF010]  }
0x9d: {  	v13 =	vadd.f32 v7, v23;
	v5 =	vadd.f32 v20, v14;
	v23 =	vld [tilespmem:s12+$0xF020]  }
0x9e: {  	v7 =	vadd.f32 v11, v63;
	v15 =	vadd.f32 v21, v15;
	v20 =	vld [tilespmem:s12+$0xF030]  }
0x9f: {  	v16 =	vadd.f32 v22, v16;
	v14 =	vld [tilespmem:s12+$0xF040];
	v17 =	vadd.f32 v27, v17  }
0xa0: {  	v11 =	vadd.f32 v1, v5;
	v3 =	vadd.f32 v3, v15;
	v15 =	vld [tilespmem:s12+$0xF050]  }
0xa1: {  	s14 =	simm.s32 $0x400;
	v5 =	vadd.f32 v28, v16;
	v16 =	vld [tilespmem:s12+$0xF060];
	v1 =	vadd.f32 v29, v17  }
.LBB2_9:
0xa2: {  	p1 =	sne.s32 s14, $0x5C00;
	v12 =	vadd.f32 v18, v12;
	v9 =	vadd.f32 v19, v9;
	v17 =	vld [tilespmem:s12+$0xF070]  }
0xa3: {  	v13 =	vadd.f32 v23, v13;
	v7 =	vadd.f32 v20, v7;
	v18 =	vld [tilespmem:s12+$0xF0E0]  }
0xa4: {  	v12 =	vadd.f32 v8, v12;
	v9 =	vadd.f32 v10, v9;
	v19 =	vld [tilespmem:s12+$0xF0F0];
	s12 =	sshra.s32 s14, $0x2  }
0xa5: {  	v13 =	vadd.f32 v4, v13;
	v8 =	vld [tilespmem:s12+$0xF080];
	v7 =	vadd.f32 v6, v7  }
0xa6: {  	v11 =	vadd.f32 v14, v11;
	v3 =	vadd.f32 v15, v3;
	v10 =	vld [tilespmem:s12+$0xF090]  }
0xa7: {  	v5 =	vadd.f32 v16, v5;
	v4 =	vld [tilespmem:s12+$0xF0A0];
	v1 =	vadd.f32 v17, v1  }
0xa8: {  	v11 =	vadd.f32 v0, v11;
	v3 =	vadd.f32 v2, v3;
	v6 =	vld [tilespmem:s12+$0xF0B0]  }
0xa9: {  	v5 =	vadd.f32 v18, v5;
	v0 =	vld [tilespmem:s12+$0xF0C0];
	v1 =	vadd.f32 v19, v1  }
0xaa: {  	v2 =	vld [tilespmem:s12+$0xF0D0]  }
0xab: {  	v18 =	vld [tilespmem:s12+$0xF000]  }
0xac: {  	v19 =	vld [tilespmem:s12+$0xF010]  }
.Ltmp3:
0xad: {  	v23 =	vld [tilespmem:s12+$0xF020];
	(pc) =	sbr.rel @p1 .LBB2_9-.Ltmp3, $4  }
0xae: {  	v20 =	vld [tilespmem:s12+$0xF030]  }
0xaf: {  	v14 =	vld [tilespmem:s12+$0xF040]  }
0xb0: {  	v15 =	vld [tilespmem:s12+$0xF050]  }
0xb1: {  	s14 =	sadd.s32 $0x400, s14;
	v16 =	vld [tilespmem:s12+$0xF060]  }
0xb2: {  	v12 =	vadd.f32 v18, v12  }
0xb3: {  	v9 =	vadd.f32 v19, v9;
	v17 =	vld [tilespmem:s12+$0xF070]  }
0xb4: {  	v13 =	vadd.f32 v23, v13;
	v18 =	vld [tilespmem:s12+$0xF0E0];
	s14 =	sshll.u32 s11, $0x8;
	v8 =	vadd.f32 v8, v12  }
0xb5: {  	v7 =	vadd.f32 v20, v7;
	v9 =	vadd.f32 v10, v9;
	v10 =	vld [tilespmem:s12+$0xF0F0];
	s12 =	sand.u32 $0x3FFFFF00, s14  }
0xb6: {  	v4 =	vadd.f32 v4, v13;
	v11 =	vadd.f32 v14, v11;
	[tilespmem:s12+$0x6400] =	vst v8  }
0xb7: {  	v6 =	vadd.f32 v6, v7;
	v3 =	vadd.f32 v15, v3;
	[tilespmem:s12+$0x6410] =	vst v9  }
0xb8: {  	v5 =	vadd.f32 v16, v5;
	v0 =	vadd.f32 v0, v11;
	[tilespmem:s12+$0x6420] =	vst v4  }
0xb9: {  	v1 =	vadd.f32 v17, v1;
	v2 =	vadd.f32 v2, v3;
	[tilespmem:s12+$0x6430] =	vst v6  }
0xba: {  	v3 =	vadd.f32 v18, v5;
	[tilespmem:s12+$0x6440] =	vst v0  }
0xbb: {  	v0 =	vadd.f32 v10, v1;
	[tilespmem:s12+$0x6450] =	vst v2  }
0xbc: {  	[tilespmem:s12+$0x6460] =	vst v3  }
0xbd: {  	s13 =	sadd.s32 $0x3, s13;
	[tilespmem:s12+$0x6470] =	vst v0  }
0xbe: {  	s13 =	smul.u32 @!p0 $0x320, s13;
	_ =	swait.ge [sflag:s29], $0x1C00  }
0xbf: {  	s15 =	simm.s32 @!p0 $0x10800;
	[sflag:s29] =	ssyncset.done $0x0  }
0xc0: {  	s14 =	simm.s32 @!p0 $0x38;
	s13 =	sshra.s32 @!p0 s13, $0x2;
	[sflag:s29] =	ssyncadd.s32 $0xFFFFE400  }
0xc1: {  	[tilespmem:s15], [sflag:$0x5] =	stream.indirect.gather @!p0 [hbm4b:s2+s14], $0x80, s13, s14, $0xb8;
	[tilespmem:$0x16C00] =	vst v63  }
0xc2: {  	s14 =	simm.s32 $0x0  }
0xc3: {  	v5 =	vld [tilespmem:s14+$0x10880]  }
0xc4: {  	v9 =	vld [tilespmem:s14+$0x10890]  }
0xc5: {  	v7 =	vld [tilespmem:s14+$0x108A0]  }
0xc6: {  	v11 =	vld [tilespmem:s14+$0x108B0]  }
0xc7: {  	v1 =	vld [tilespmem:s14+$0x108C0]  }
0xc8: {  	v3 =	vld [tilespmem:s14+$0x108D0]  }
0xc9: {  	v23 =	vld [tilespmem:s14+$0x10800]  }
0xca: {  	v25 =	vld [tilespmem:s14+$0x10810]  }
0xcb: {  	v19 =	vld [tilespmem:s14+$0x10820]  }
0xcc: {  	v24 =	vld [tilespmem:s14+$0x10830]  }
0xcd: {  	v12 =	vimm.f32 $0.0e+00;
	v13 =	vimm.f32 $0.0e+00;
	v20 =	vld [tilespmem:s14+$0x10840]  }
0xce: {  	v14 =	vimm.f32 $0.0e+00;
	v15 =	vimm.f32 $0.0e+00;
	v16 =	vimm.f32 $0.0e+00;
	v21 =	vld [tilespmem:s14+$0x10850]  }
0xcf: {  	v17 =	vimm.f32 $0.0e+00;
	v18 =	vimm.f32 $0.0e+00;
	v2 =	vimm.f32 $0.0e+00;
	s15 =	simm.s32 $0x400;
	v22 =	vld [tilespmem:s14+$0x10860]  }
.LBB2_11:
0xd0: {  	p1 =	sne.s32 s15, $0x6C00;
	v0 =	vadd.f32 v23, v2;
	v4 =	vadd.f32 v25, v12;
	v6 =	vld [tilespmem:s14+$0x10870]  }
0xd1: {  	v8 =	vadd.f32 v19, v13;
	v10 =	vadd.f32 v24, v18;
	v19 =	vld [tilespmem:s14+$0x108E0]  }
0xd2: {  	v2 =	vadd.f32 v5, v0;
	v12 =	vadd.f32 v9, v4;
	v0 =	vld [tilespmem:s14+$0x108F0];
	s14 =	sshra.s32 s15, $0x2  }
0xd3: {  	v13 =	vadd.f32 v7, v8;
	v5 =	vld [tilespmem:s14+$0x10880];
	v18 =	vadd.f32 v11, v10  }
0xd4: {  	v4 =	vadd.f32 v20, v14;
	v8 =	vadd.f32 v21, v17;
	v9 =	vld [tilespmem:s14+$0x10890]  }
0xd5: {  	v10 =	vadd.f32 v22, v15;
	v7 =	vld [tilespmem:s14+$0x108A0];
	v6 =	vadd.f32 v6, v16  }
0xd6: {  	v14 =	vadd.f32 v1, v4;
	v17 =	vadd.f32 v3, v8;
	v11 =	vld [tilespmem:s14+$0x108B0]  }
0xd7: {  	v15 =	vadd.f32 v19, v10;
	v1 =	vld [tilespmem:s14+$0x108C0];
	v16 =	vadd.f32 v0, v6  }
0xd8: {  	v3 =	vld [tilespmem:s14+$0x108D0]  }
0xd9: {  	v23 =	vld [tilespmem:s14+$0x10800]  }
0xda: {  	v25 =	vld [tilespmem:s14+$0x10810]  }
.Ltmp4:
0xdb: {  	v19 =	vld [tilespmem:s14+$0x10820];
	(pc) =	sbr.rel @p1 .LBB2_11-.Ltmp4, $4  }
0xdc: {  	v24 =	vld [tilespmem:s14+$0x10830]  }
0xdd: {  	v20 =	vld [tilespmem:s14+$0x10840]  }
0xde: {  	v21 =	vld [tilespmem:s14+$0x10850]  }
0xdf: {  	s15 =	sadd.s32 $0x400, s15;
	v22 =	vld [tilespmem:s14+$0x10860]  }
0xe0: {  	v27 =	vld [tilespmem:s14+$0x10870]  }
0xe1: {  	v28 =	vld [tilespmem:s14+$0x108E0]  }
0xe2: {  	v29 =	vld [tilespmem:s14+$0x108F0];
	_ =	swait.ge [sflag:s30], $0x1800  }
0xe3: {  	s14 =	sadd.s32 @!p0 $0x38, s13;
	[sflag:s30] =	ssyncset.done $0x0  }
0xe4: {  	s15 =	simm.s32 @!p0 $0x30;
	s16 =	simm.s32 @!p0 $0x12400;
	[sflag:s30] =	ssyncadd.s32 $0xFFFFE800  }
0xe5: {  	[tilespmem:s16], [sflag:$0x6] =	stream.indirect.gather @!p0 [hbm4b:s2+s15], $0x80, s14, s15, $0xb8;
	[tilespmem:$0x16C00] =	vst v63  }
0xe6: {  	s14 =	simm.s32 $0x0  }
0xe7: {  	v4 =	vld [tilespmem:s14+$0x12480]  }
0xe8: {  	v8 =	vld [tilespmem:s14+$0x12490]  }
0xe9: {  	v6 =	vld [tilespmem:s14+$0x124A0]  }
0xea: {  	v10 =	vld [tilespmem:s14+$0x124B0]  }
0xeb: {  	v0 =	vld [tilespmem:s14+$0x124C0]  }
0xec: {  	v26 =	vadd.f32 v23, v2;
	v25 =	vadd.f32 v25, v12;
	v2 =	vld [tilespmem:s14+$0x124D0]  }
0xed: {  	v19 =	vadd.f32 v19, v13;
	v30 =	vadd.f32 v24, v18;
	v23 =	vld [tilespmem:s14+$0x12400]  }
0xee: {  	v12 =	vadd.f32 v5, v26;
	v13 =	vadd.f32 v9, v25;
	v24 =	vld [tilespmem:s14+$0x12410]  }
0xef: {  	v18 =	vadd.f32 v7, v19;
	v5 =	vadd.f32 v20, v14;
	v25 =	vld [tilespmem:s14+$0x12420]  }
0xf0: {  	v19 =	vadd.f32 v11, v30;
	v7 =	vadd.f32 v21, v17;
	v26 =	vld [tilespmem:s14+$0x12430]  }
0xf1: {  	v9 =	vadd.f32 v22, v15;
	v20 =	vld [tilespmem:s14+$0x12440];
	v11 =	vadd.f32 v27, v16  }
0xf2: {  	v14 =	vadd.f32 v1, v5;
	v21 =	vld [tilespmem:s14+$0x12450];
	v15 =	vadd.f32 v3, v7  }
0xf3: {  	s15 =	simm.s32 $0x400;
	v22 =	vld [tilespmem:s14+$0x12460];
	v16 =	vadd.f32 v28, v9;
	v17 =	vadd.f32 v29, v11  }
.LBB2_13:
0xf4: {  	p1 =	sne.s32 s15, $0x5C00;
	v1 =	vadd.f32 v23, v12;
	v3 =	vadd.f32 v24, v13;
	v5 =	vld [tilespmem:s14+$0x12470]  }
0xf5: {  	v7 =	vadd.f32 v25, v18;
	v9 =	vadd.f32 v26, v19;
	v11 =	vld [tilespmem:s14+$0x124E0]  }
0xf6: {  	v12 =	vadd.f32 v4, v1;
	v13 =	vadd.f32 v8, v3;
	v1 =	vld [tilespmem:s14+$0x124F0];
	s14 =	sshra.s32 s15, $0x2  }
0xf7: {  	v18 =	vadd.f32 v6, v7;
	v4 =	vld [tilespmem:s14+$0x12480];
	v19 =	vadd.f32 v10, v9  }
0xf8: {  	v3 =	vadd.f32 v20, v14;
	v7 =	vadd.f32 v21, v15;
	v8 =	vld [tilespmem:s14+$0x12490]  }
0xf9: {  	v9 =	vadd.f32 v22, v16;
	v6 =	vld [tilespmem:s14+$0x124A0];
	v5 =	vadd.f32 v5, v17  }
0xfa: {  	v14 =	vadd.f32 v0, v3;
	v15 =	vadd.f32 v2, v7;
	v10 =	vld [tilespmem:s14+$0x124B0]  }
0xfb: {  	v16 =	vadd.f32 v11, v9;
	v0 =	vld [tilespmem:s14+$0x124C0];
	v17 =	vadd.f32 v1, v5  }
0xfc: {  	v2 =	vld [tilespmem:s14+$0x124D0]  }
0xfd: {  	v23 =	vld [tilespmem:s14+$0x12400]  }
0xfe: {  	v24 =	vld [tilespmem:s14+$0x12410]  }
.Ltmp5:
0xff: {  	v25 =	vld [tilespmem:s14+$0x12420];
	(pc) =	sbr.rel @p1 .LBB2_13-.Ltmp5, $4  }
0x100: {  	v26 =	vld [tilespmem:s14+$0x12430]  }
0x101: {  	v20 =	vld [tilespmem:s14+$0x12440]  }
0x102: {  	v21 =	vld [tilespmem:s14+$0x12450]  }
0x103: {  	s15 =	sadd.s32 $0x400, s15;
	v22 =	vld [tilespmem:s14+$0x12460]  }
0x104: {  	v27 =	vld [tilespmem:s14+$0x12470]  }
0x105: {  	v28 =	vld [tilespmem:s14+$0x124E0]  }
0x106: {  	v29 =	vld [tilespmem:s14+$0x124F0];
	_ =	swait.ge [sflag:s31], $0x1800  }
0x107: {  	s14 =	sadd.s32 @!p0 $0x68, s13;
	[sflag:s31] =	ssyncset.done $0x0  }
0x108: {  	s15 =	simm.s32 @!p0 $0x30;
	s16 =	simm.s32 @!p0 $0x13C00;
	[sflag:s31] =	ssyncadd.s32 $0xFFFFE800  }
0x109: {  	[tilespmem:s16], [sflag:$0x7] =	stream.indirect.gather @!p0 [hbm4b:s2+s15], $0x80, s14, s15, $0xb8;
	[tilespmem:$0x16C00] =	vst v63  }
0x10a: {  	s14 =	simm.s32 $0x0  }
0x10b: {  	v5 =	vld [tilespmem:s14+$0x13C80]  }
0x10c: {  	v9 =	vld [tilespmem:s14+$0x13C90]  }
0x10d: {  	v7 =	vld [tilespmem:s14+$0x13CA0]  }
0x10e: {  	v11 =	vld [tilespmem:s14+$0x13CB0]  }
0x10f: {  	v1 =	vld [tilespmem:s14+$0x13CC0]  }
0x110: {  	v12 =	vadd.f32 v23, v12;
	v13 =	vadd.f32 v24, v13;
	v3 =	vld [tilespmem:s14+$0x13CD0]  }
0x111: {  	v18 =	vadd.f32 v25, v18;
	v19 =	vadd.f32 v26, v19;
	v23 =	vld [tilespmem:s14+$0x13C00]  }
0x112: {  	v12 =	vadd.f32 v4, v12;
	v13 =	vadd.f32 v8, v13;
	v24 =	vld [tilespmem:s14+$0x13C10]  }
0x113: {  	v18 =	vadd.f32 v6, v18;
	v4 =	vadd.f32 v20, v14;
	v25 =	vld [tilespmem:s14+$0x13C20]  }
0x114: {  	v19 =	vadd.f32 v10, v19;
	v6 =	vadd.f32 v21, v15;
	v26 =	vld [tilespmem:s14+$0x13C30]  }
0x115: {  	v8 =	vadd.f32 v22, v16;
	v20 =	vld [tilespmem:s14+$0x13C40];
	v10 =	vadd.f32 v27, v17  }
0x116: {  	v14 =	vadd.f32 v0, v4;
	v21 =	vld [tilespmem:s14+$0x13C50];
	v15 =	vadd.f32 v2, v6  }
0x117: {  	s15 =	simm.s32 $0x400;
	v22 =	vld [tilespmem:s14+$0x13C60];
	v16 =	vadd.f32 v28, v8;
	v17 =	vadd.f32 v29, v10  }
.LBB2_15:
0x118: {  	p1 =	sne.s32 s15, $0x5C00;
	v0 =	vadd.f32 v23, v12;
	v2 =	vadd.f32 v24, v13;
	v4 =	vld [tilespmem:s14+$0x13C70]  }
0x119: {  	v6 =	vadd.f32 v25, v18;
	v8 =	vadd.f32 v26, v19;
	v10 =	vld [tilespmem:s14+$0x13CE0]  }
0x11a: {  	v12 =	vadd.f32 v5, v0;
	v13 =	vadd.f32 v9, v2;
	v0 =	vld [tilespmem:s14+$0x13CF0];
	s14 =	sshra.s32 s15, $0x2  }
0x11b: {  	v18 =	vadd.f32 v7, v6;
	v5 =	vld [tilespmem:s14+$0x13C80];
	v19 =	vadd.f32 v11, v8  }
0x11c: {  	v2 =	vadd.f32 v20, v14;
	v6 =	vadd.f32 v21, v15;
	v9 =	vld [tilespmem:s14+$0x13C90]  }
0x11d: {  	v8 =	vadd.f32 v22, v16;
	v7 =	vld [tilespmem:s14+$0x13CA0];
	v4 =	vadd.f32 v4, v17  }
0x11e: {  	v14 =	vadd.f32 v1, v2;
	v15 =	vadd.f32 v3, v6;
	v11 =	vld [tilespmem:s14+$0x13CB0]  }
0x11f: {  	v16 =	vadd.f32 v10, v8;
	v1 =	vld [tilespmem:s14+$0x13CC0];
	v17 =	vadd.f32 v0, v4  }
0x120: {  	v3 =	vld [tilespmem:s14+$0x13CD0]  }
0x121: {  	v23 =	vld [tilespmem:s14+$0x13C00]  }
0x122: {  	v24 =	vld [tilespmem:s14+$0x13C10]  }
.Ltmp6:
0x123: {  	v25 =	vld [tilespmem:s14+$0x13C20];
	(pc) =	sbr.rel @p1 .LBB2_15-.Ltmp6, $4  }
0x124: {  	v26 =	vld [tilespmem:s14+$0x13C30]  }
0x125: {  	v20 =	vld [tilespmem:s14+$0x13C40]  }
0x126: {  	v21 =	vld [tilespmem:s14+$0x13C50]  }
0x127: {  	s15 =	sadd.s32 $0x400, s15;
	v22 =	vld [tilespmem:s14+$0x13C60]  }
0x128: {  	v27 =	vld [tilespmem:s14+$0x13C70]  }
0x129: {  	v28 =	vld [tilespmem:s14+$0x13CE0]  }
0x12a: {  	v29 =	vld [tilespmem:s14+$0x13CF0];
	_ =	swait.ge [sflag:s1], $0x1800  }
0x12b: {  	s13 =	sadd.s32 @!p0 $0x98, s13;
	[sflag:s1] =	ssyncset.done $0x0  }
0x12c: {  	s14 =	simm.s32 @!p0 $0x30;
	s15 =	simm.s32 @!p0 $0x15400;
	[sflag:s1] =	ssyncadd.s32 $0xFFFFE800  }
0x12d: {  	[tilespmem:s15], [sflag:$0x8] =	stream.indirect.gather @!p0 [hbm4b:s2+s14], $0x80, s13, s14, $0xb8;
	[tilespmem:$0x16C00] =	vst v63  }
0x12e: {  	s13 =	simm.s32 $0x0  }
0x12f: {  	v4 =	vld [tilespmem:s13+$0x15480]  }
0x130: {  	v10 =	vld [tilespmem:s13+$0x15490]  }
0x131: {  	v6 =	vld [tilespmem:s13+$0x154A0]  }
0x132: {  	v8 =	vld [tilespmem:s13+$0x154B0]  }
0x133: {  	v0 =	vld [tilespmem:s13+$0x154C0]  }
0x134: {  	v12 =	vadd.f32 v23, v12;
	v13 =	vadd.f32 v24, v13;
	v2 =	vld [tilespmem:s13+$0x154D0]  }
0x135: {  	v23 =	vadd.f32 v25, v18;
	v63 =	vadd.f32 v26, v19;
	v18 =	vld [tilespmem:s13+$0x15400]  }
0x136: {  	v5 =	vadd.f32 v5, v12;
	v9 =	vadd.f32 v9, v13;
	v19 =	vld [tilespmem:s13+$0x15410]  }
0x137: {  	v12 =	vadd.f32 v7, v23;
	v7 =	vadd.f32 v11, v63;
	v23 =	vld [tilespmem:s13+$0x15420]  }
0x138: {  	v11 =	vadd.f32 v20, v14;
	v15 =	vadd.f32 v21, v15;
	v20 =	vld [tilespmem:s13+$0x15430]  }
0x139: {  	v16 =	vadd.f32 v22, v16;
	v14 =	vld [tilespmem:s13+$0x15440];
	v17 =	vadd.f32 v27, v17  }
0x13a: {  	v13 =	vadd.f32 v1, v11;
	v3 =	vadd.f32 v3, v15;
	v15 =	vld [tilespmem:s13+$0x15450]  }
0x13b: {  	s14 =	simm.s32 $0x400;
	v11 =	vadd.f32 v28, v16;
	v16 =	vld [tilespmem:s13+$0x15460];
	v1 =	vadd.f32 v29, v17  }
.LBB2_17:
0x13c: {  	p0 =	sne.s32 s14, $0x5C00;
	v5 =	vadd.f32 v18, v5;
	v9 =	vadd.f32 v19, v9;
	v17 =	vld [tilespmem:s13+$0x15470]  }
0x13d: {  	v12 =	vadd.f32 v23, v12;
	v7 =	vadd.f32 v20, v7;
	v18 =	vld [tilespmem:s13+$0x154E0]  }
0x13e: {  	v5 =	vadd.f32 v4, v5;
	v9 =	vadd.f32 v10, v9;
	v19 =	vld [tilespmem:s13+$0x154F0];
	s13 =	sshra.s32 s14, $0x2  }
0x13f: {  	v12 =	vadd.f32 v6, v12;
	v4 =	vld [tilespmem:s13+$0x15480];
	v7 =	vadd.f32 v8, v7  }
0x140: {  	v13 =	vadd.f32 v14, v13;
	v3 =	vadd.f32 v15, v3;
	v10 =	vld [tilespmem:s13+$0x15490]  }
0x141: {  	v11 =	vadd.f32 v16, v11;
	v6 =	vld [tilespmem:s13+$0x154A0];
	v1 =	vadd.f32 v17, v1  }
0x142: {  	v13 =	vadd.f32 v0, v13;
	v3 =	vadd.f32 v2, v3;
	v8 =	vld [tilespmem:s13+$0x154B0]  }
0x143: {  	v11 =	vadd.f32 v18, v11;
	v0 =	vld [tilespmem:s13+$0x154C0];
	v1 =	vadd.f32 v19, v1  }
0x144: {  	v2 =	vld [tilespmem:s13+$0x154D0]  }
0x145: {  	v18 =	vld [tilespmem:s13+$0x15400]  }
0x146: {  	v19 =	vld [tilespmem:s13+$0x15410]  }
.Ltmp7:
0x147: {  	v23 =	vld [tilespmem:s13+$0x15420];
	(pc) =	sbr.rel @p0 .LBB2_17-.Ltmp7, $4  }
0x148: {  	v20 =	vld [tilespmem:s13+$0x15430]  }
0x149: {  	v14 =	vld [tilespmem:s13+$0x15440]  }
0x14a: {  	v15 =	vld [tilespmem:s13+$0x15450]  }
0x14b: {  	s14 =	sadd.s32 $0x400, s14;
	v16 =	vld [tilespmem:s13+$0x15460]  }
0x14c: {  	v5 =	vadd.f32 v18, v5  }
0x14d: {  	v9 =	vadd.f32 v19, v9  }
0x14e: {  	v17 =	vld [tilespmem:s13+$0x15470];
	v12 =	vadd.f32 v23, v12;
	v4 =	vadd.f32 v4, v5  }
0x14f: {  	v55 =	vld [tilespmem:s13+$0x154E0];
	v56 =	vadd.f32 v20, v7;
	v57 =	vadd.f32 v10, v9  }
0x150: {  	v58 =	vld [tilespmem:s13+$0x154F0];
	v6 =	vadd.f32 v6, v12;
	v59 =	vadd.f32 v14, v13;
	[tilespmem:s12+$0x6480] =	vst v4  }
0x151: {  	s11 =	sadd.s32 $0x1, s11;
	v60 =	vadd.f32 v8, v56;
	v3 =	vadd.f32 v15, v3;
	[tilespmem:s12+$0x6490] =	vst v57  }
0x152: {  	p0 =	sne.s32 s11, $0x40;
	v61 =	vadd.f32 v16, v11;
	v0 =	vadd.f32 v0, v59;
	[tilespmem:s12+$0x64A0] =	vst v6  }
.Ltmp8:
0x153: {  	v1 =	vadd.f32 v17, v1;
	v2 =	vadd.f32 v2, v3;
	[tilespmem:s12+$0x64B0] =	vst v60;
	(pc) =	sbr.rel @p0 .LBB2_2-.Ltmp8, $4  }
0x154: {  	v62 =	vadd.f32 v55, v61;
	[tilespmem:s12+$0x64C0] =	vst v0  }
0x155: {  	v63 =	vadd.f32 v58, v1;
	[tilespmem:s12+$0x64D0] =	vst v2  }
0x156: {  	[tilespmem:s12+$0x64E0] =	vst v62  }
0x157: {  	[tilespmem:s12+$0x64F0] =	vst v63  }
0x158: {  	s9 =	sadd.s32 $0x1, s9  }
0x159: {  	p0 =	sne.s32 s9, s6  }
.Ltmp9:
0x15a: {  	_ = 	snop;
	(pc) =	sbr.rel @p0 .LBB2_1-.Ltmp9, $4  }
0x15b: {  	[hbm4b:s5+s3] =	stream.linear.scatter [tilespmem:s0], [sflag:$0x9], $0x4000, $0x38;
	[tilespmem:$0x16C00] =	vst v63  }
0x15c: {  	_ =	swait.ge [sflag:s7], $0x4000  }
0x15d: {  	[sflag:s7] =	ssyncset.done $0x0  }
0x15e: {  	[sflag:s7] =	ssyncadd.s32 $0xFFFFC000  }
0x15f: {  	_ =	sfence.sel $0x180000  }
0x160: {  	[bflag:$0x0] =	sbarrier.arrive $0xFFFF  }
0x161: {  	_ =	strace $0x90000047  }
0x162: {  	s0 =	stileid.u32;
	[bflag:$0x2] =	sbarrier.arrive $0xFFFF  }
0x163: {  	p0 =	sne.s32 s0, $0x0;
	s0 =	rddreg [dreg:$0x2]  }
0x164: {  	s0 =	sadd.s32 @!p0 $0x100000, s0  }
0x165: {  	[sflag:s0] =	ssyncadd.tile.s32 @!p0 $0x1;
	_ =	shalt  }
.Lfunc_end2:
_tile_overlayer_lowered:
.L_overlay_start_2:
0x166: {  	(tag) =	ssettag $0x2  }
0x167: {  	s0 =	rddreg [dreg:$0x0];
	s2 =	stileid.u32  }
0x168: {  	s1 =	rddreg [dreg:$0x1];
	p0 =	sne.s32 s2, $0x0  }
0x169: {  	s3 =	rddreg [dreg:$0x2];
	[bflag:$0x3] =	sbarrier.arrive $0xFFFF;
	s2 =	simm.s32 @!p0 $0x1C09  }
0x16a: {  	[timem:s3], [sflag:s2] =	dma.local @!p0 [hbm:s0], s1  }
0x16b: {  	s0 =	simm.s32 @!p0 $0x9  }
0x16c: {  	_ =	swait.ge @!p0 [sflag:s0], s1  }
0x16d: {  	s1 =	ssub.s32 @!p0 $0x0, s1;
	[sflag:s0] =	ssyncset.done @!p0 $0x0  }
0x16e: {  	[sflag:s0] =	ssyncadd.s32 @!p0 s1  }
0x16f: {  	[bflag:$0x3] =	sbarrier.arrive $0xFFFF  }
0x170: {  	_ =	shalt  }

</sc_bundles>
